<compile_context>
chip_gen: v7x
topology: tpu7x:2x2x1
jax: 0.10.2.dev20260603
libtpu: 0.0.44.dev20260713+nightly
codegen_flags: <defaults>
</compile_context>

<pallas_src>
import functools

import jax
import jax.numpy as jnp
from jax import lax
from jax.experimental import pallas as pl
from jax.experimental.pallas import tpu as pltpu
from jax.experimental.pallas import tpu_sc as plsc

_LANES = 16
_CHUNK = 128
_NW = 32




_RPS = 632
_NPAD = _RPS * _LANES
_SLOW_CORE = 1


def _sc_mesh():
    return plsc.VectorSubcoreMesh(core_axis_name="c", subcore_axis_name="s",
                                  num_cores=2, num_subcores=_LANES)


def _sc_agg_call(h, src, dst, nw):
    n, d = h.shape
    assert nw % 4 == 0 and src.shape[0] >= (_NW * nw + 4) * _CHUNK

    def body(h_hbm, src_hbm, dst_hbm, zf_hbm, agg_out,
             src_v, dst_v, rows_v, acc, gsem):

        c = lax.axis_index("c")
        s = lax.axis_index("s")
        wid = s * 2 + c

        sl = pl.ds(pl.multiple_of(s * _RPS, 8), _RPS)
        pltpu.sync_copy(zf_hbm, acc.at[sl])
        plsc.subcore_barrier()

        start = wid * nw

        def chunk_body(i, carry):
            base = pl.multiple_of((start + i) * _CHUNK, _CHUNK)
            pltpu.sync_copy(src_hbm.at[pl.ds(base, _CHUNK)], src_v)
            pltpu.sync_copy(dst_hbm.at[pl.ds(base, _CHUNK)], dst_v)
            pltpu.async_copy(h_hbm.at[src_v], rows_v, gsem).wait()
            pltpu.sync_copy(rows_v, acc.at[dst_v], add=True)
            return carry

        lax.fori_loop(0, nw, chunk_body, 0)
        plsc.subcore_barrier()

        pltpu.sync_copy(acc.at[sl], agg_out.at[c, sl])

    kern = pl.kernel(
        body,
        out_type=jax.ShapeDtypeStruct((2, _NPAD, d), jnp.float32),
        mesh=_sc_mesh(),
        scratch_types=[
            pltpu.VMEM((_CHUNK,), jnp.int32),
            pltpu.VMEM((_CHUNK,), jnp.int32),
            pltpu.VMEM((_CHUNK, d), jnp.float32),
            pltpu.VMEM_SHARED((_NPAD, d), jnp.float32),
            pltpu.SemaphoreType.DMA,
        ],
    )
    return kern(h, src, dst, jnp.zeros((_RPS, d), jnp.float32))


def _sc_deg_call(dst, d, nw):
    assert nw % 2 == 0 and dst.shape[0] >= (_NW * nw + 2) * _CHUNK

    def body(dst_hbm, zf_hbm, ones_hbm, deg_out, *scr):
        dst_v = scr[0:2]
        ones_v = scr[2]
        acc = scr[3]
        isem = scr[4:6]

        c = lax.axis_index("c")
        s = lax.axis_index("s")
        wid = s * 2 + c

        sl = pl.ds(pl.multiple_of(s * _RPS, 8), _RPS)
        pltpu.sync_copy(zf_hbm, acc.at[sl])
        pltpu.sync_copy(ones_hbm, ones_v)
        plsc.subcore_barrier()

        start = wid * nw

        def dst_slice(ci):
            base = pl.multiple_of((start + ci) * _CHUNK, _CHUNK)
            return dst_hbm.at[pl.ds(base, _CHUNK)]

        for u in (0, 1):
            pltpu.async_copy(dst_slice(u), dst_v[u], isem[u])

        def outer(j, carry):
            cc = j * 2
            for u in (0, 1):
                pltpu.make_async_copy(dst_slice(0), dst_v[u],
                                      isem[u]).wait()
                pltpu.sync_copy(ones_v, acc.at[dst_v[u]], add=True)
                pltpu.async_copy(dst_slice(cc + u + 2), dst_v[u], isem[u])
            return carry

        lax.fori_loop(0, nw // 2, outer, 0)
        for u in (0, 1):
            pltpu.make_async_copy(dst_slice(0), dst_v[u], isem[u]).wait()

        plsc.subcore_barrier()
        pltpu.sync_copy(acc.at[sl], deg_out.at[c, sl])

    kern = pl.kernel(
        body,
        out_type=jax.ShapeDtypeStruct((2, _NPAD, d), jnp.float32),
        mesh=_sc_mesh(),
        scratch_types=[
            pltpu.VMEM((_CHUNK,), jnp.int32),
            pltpu.VMEM((_CHUNK,), jnp.int32),
            pltpu.VMEM((_CHUNK, d), jnp.float32),
            pltpu.VMEM_SHARED((_NPAD, d), jnp.float32),
            pltpu.SemaphoreType.DMA,
            pltpu.SemaphoreType.DMA,
        ],
    )
    return kern(dst, jnp.zeros((_RPS, d), jnp.float32),
                jnp.ones((_CHUNK, d), jnp.float32))


def _pad_edges(src, dst, n):
    e = src.shape[0]
    quantum = _NW * _CHUNK * 4
    escat = -(-e // quantum) * quantum
    nw = (escat // _CHUNK) // _NW
    epad = escat + 4 * _CHUNK
    pad = epad - e
    if pad:
        src = jnp.concatenate([src, jnp.zeros((pad,), src.dtype)])
        dst = jnp.concatenate([dst, jnp.full((pad,), n, dst.dtype)])
    return src, dst, nw



_ROWS = 1000


def _layer_body(h_ref, agg_ref, deg_ref, ws_ref, wn_ref, b_ref, o_ref):
    a = agg_ref[...]
    dg = deg_ref[...]
    deg = dg[0][:, 0:1] + dg[1][:, 0:1]
    mean = (a[0] + a[1]) / jnp.maximum(deg, 1.0)
    acc = jnp.dot(h_ref[...], ws_ref[...], preferred_element_type=jnp.float32)
    acc += jnp.dot(mean, wn_ref[...], preferred_element_type=jnp.float32)
    o_ref[...] = jnp.maximum(acc + b_ref[...], 0.0)


def _tc_layer(h, aggp, degp, ws, wn, b):
    n, d = h.shape
    grid = n // _ROWS
    return pl.pallas_call(
        _layer_body,
        grid=(grid,),
        in_specs=[
            pl.BlockSpec((_ROWS, d), lambda i: (i, 0)),
            pl.BlockSpec((2, _ROWS, d), lambda i: (0, i, 0)),
            pl.BlockSpec((2, _ROWS, d), lambda i: (0, i, 0)),
            pl.BlockSpec((d, d), lambda i: (0, 0)),
            pl.BlockSpec((d, d), lambda i: (0, 0)),
            pl.BlockSpec((1, d), lambda i: (0, 0)),
        ],
        out_specs=pl.BlockSpec((_ROWS, d), lambda i: (i, 0)),
        out_shape=jax.ShapeDtypeStruct((n, d), jnp.float32),
    )(h, aggp, degp, ws, wn, b.reshape(1, d))


def _final_body(n, h_ref, agg_ref, deg_ref, ws_ref, wn_ref, b_ref,
                wc_ref, bc_ref, o_ref, acc_ref):
    i = pl.program_id(0)
    a = agg_ref[...]
    dg = deg_ref[...]
    deg = dg[0][:, 0:1] + dg[1][:, 0:1]
    mean = (a[0] + a[1]) / jnp.maximum(deg, 1.0)
    h4 = jnp.dot(h_ref[...], ws_ref[...], preferred_element_type=jnp.float32)
    h4 += jnp.dot(mean, wn_ref[...], preferred_element_type=jnp.float32)
    h4 = jnp.maximum(h4 + b_ref[...], 0.0)
    part = jnp.sum(h4, axis=0, keepdims=True)

    @pl.when(i == 0)
    def _():
        acc_ref[...] = jnp.zeros_like(acc_ref)

    acc_ref[...] += part

    @pl.when(i == pl.num_programs(0) - 1)
    def _():
        pooled = acc_ref[...] / jnp.float32(n)
        o_ref[...] = jnp.dot(pooled, wc_ref[...],
                             preferred_element_type=jnp.float32) + bc_ref[...]


def _tc_final(h, aggp, degp, ws, wn, b, wc, bc):
    n, d = h.shape
    o = wc.shape[1]
    grid = n // _ROWS
    out = pl.pallas_call(
        functools.partial(_final_body, n),
        grid=(grid,),
        in_specs=[
            pl.BlockSpec((_ROWS, d), lambda i: (i, 0)),
            pl.BlockSpec((2, _ROWS, d), lambda i: (0, i, 0)),
            pl.BlockSpec((2, _ROWS, d), lambda i: (0, i, 0)),
            pl.BlockSpec((d, d), lambda i: (0, 0)),
            pl.BlockSpec((d, d), lambda i: (0, 0)),
            pl.BlockSpec((1, d), lambda i: (0, 0)),
            pl.BlockSpec((d, o), lambda i: (0, 0)),
            pl.BlockSpec((1, o), lambda i: (0, 0)),
        ],
        out_specs=pl.BlockSpec((1, o), lambda i: (0, 0)),
        out_shape=jax.ShapeDtypeStruct((1, o), jnp.float32),
        scratch_shapes=[pltpu.VMEM((1, d), jnp.float32)],
    )(h, aggp, degp, ws, wn, b.reshape(1, d), wc, bc.reshape(1, o))
    return out.reshape(o)




def kernel(x, edge_index, Ws1a, Wn1a, b1a, Ws1b, Wn1b, b1b,
           Ws2a, Wn2a, b2a, Ws2b, Wn2b, b2b, Wc, bc):
    n = x.shape[0]
    src, dst, nw = _pad_edges(edge_index[0], edge_index[1], n)

    degp = _sc_deg_call(dst, x.shape[1], nw)[:, :n]
    agg1 = _sc_agg_call(x, src, dst, nw)[:, :n]
    h1 = _tc_layer(x, agg1, degp, Ws1a, Wn1a, b1a)
    agg2 = _sc_agg_call(h1, src, dst, nw)[:, :n]
    h2 = _tc_layer(h1, agg2, degp, Ws1b, Wn1b, b1b)
    agg3 = _sc_agg_call(h2, src, dst, nw)[:, :n]
    h3 = _tc_layer(h2, agg3, degp, Ws2a, Wn2a, b2a)
    agg4 = _sc_agg_call(h3, src, dst, nw)[:, :n]
    return _tc_final(h3, agg4, degp, Ws2b, Wn2b, b2b, Wc, bc)

# --- scband reference (transcript-rebuilt; emitter-appended) ---
"""Pipeline reference for scband-graph-sagemodel-82325933130195 (READ-ONLY COPY).

The authoritative reference and input builder live on the scoring server;
editing this copy changes nothing except your own understanding.
"""

import jax, jax.numpy as jnp
import numpy as np

N = 10000
E = 320000
D = 128
H = 128
O = 64


def _glorot(key, shape):
    fan_in = shape[0]
    return jax.random.normal(key, shape, dtype=jnp.float32) / jnp.sqrt(jnp.float32(fan_in))


def setup_inputs(seed: int = 0) -> dict:
    key = jax.random.key(seed)
    ks = jax.random.split(key, 16)
    x = jax.random.normal(ks[0], (N, D), dtype=jnp.float32)
    edge_index = jax.random.randint(ks[1], (2, E), 0, N, dtype=jnp.int32)
    # GraphSAGE block 1: two SAGEConv layers (mean aggregator): D->H, H->H
    Ws1a = _glorot(ks[2], (D, H)); Wn1a = _glorot(ks[3], (D, H)); b1a = jnp.zeros((H,), jnp.float32)
    Ws1b = _glorot(ks[4], (H, H)); Wn1b = _glorot(ks[5], (H, H)); b1b = jnp.zeros((H,), jnp.float32)
    # GraphSAGE block 2: two SAGEConv layers: H->H, H->H
    Ws2a = _glorot(ks[6], (H, H)); Wn2a = _glorot(ks[7], (H, H)); b2a = jnp.zeros((H,), jnp.float32)
    Ws2b = _glorot(ks[8], (H, H)); Wn2b = _glorot(ks[9], (H, H)); b2b = jnp.zeros((H,), jnp.float32)
    # classifier
    Wc = _glorot(ks[10], (H, O)); bc = jnp.zeros((O,), jnp.float32)
    return {"x": x, "edge_index": edge_index,
            "Ws1a": Ws1a, "Wn1a": Wn1a, "b1a": b1a,
            "Ws1b": Ws1b, "Wn1b": Wn1b, "b1b": b1b,
            "Ws2a": Ws2a, "Wn2a": Wn2a, "b2a": b2a,
            "Ws2b": Ws2b, "Wn2b": Wn2b, "b2b": b2b,
            "Wc": Wc, "bc": bc}


def _sage_conv(x, edge_index, Ws, Wn, b):
    src = edge_index[0]
    dst = edge_index[1]
    msg = jnp.take(x, src, axis=0)
    agg = jax.ops.segment_sum(msg, dst, num_segments=N)
    deg = jax.ops.segment_sum(jnp.ones((edge_index.shape[1],), jnp.float32), dst, num_segments=N)
    mean = agg / jnp.maximum(deg, 1.0)[:, None]
    return x @ Ws + mean @ Wn + b


def _sage_block(x, edge_index, Wsa, Wna, ba, Wsb, Wnb, bb):
    h = _sage_conv(x, edge_index, Wsa, Wna, ba)
    h = jax.nn.relu(h)
    h = _sage_conv(h, edge_index, Wsb, Wnb, bb)
    return h


def reference(x, edge_index, Ws1a, Wn1a, b1a, Ws1b, Wn1b, b1b,
              Ws2a, Wn2a, b2a, Ws2b, Wn2b, b2b, Wc, bc):
    h = jax.nn.relu(_sage_block(x, edge_index, Ws1a, Wn1a, b1a, Ws1b, Wn1b, b1b))
    # dropout is identity at inference
    h = jax.nn.relu(_sage_block(h, edge_index, Ws2a, Wn2a, b2a, Ws2b, Wn2b, b2b))
    pooled = jnp.mean(h, axis=0)
    return pooled @ Wc + bc

if __name__ == "__main__":
    import jax
    _d = setup_inputs()
    print(jax.jit(kernel)(*tuple(_d.values())))

</pallas_src>

<mosaic_0001>
#map = affine_map<(d0, d1) -> (0, 0)>
#map1 = affine_map<(d0, d1) -> (0)>
#map2 = affine_map<(d0, d1) -> (0, 0, 0)>
module attributes {stable_mosaic.version = 14 : i64} {
  func.func @body(%arg0: i32, %arg1: i32, %arg2: memref<10000x128xf32, #tpu.memory_space<hbm>>, %arg3: memref<328192xi32, #tpu.memory_space<hbm>>, %arg4: memref<328192xi32, #tpu.memory_space<hbm>>, %arg5: memref<632x128xf32, #tpu.memory_space<hbm>>, %arg6: memref<2x10112x128xf32, #tpu.memory_space<hbm>>, %arg7: memref<128xi32, #tpu.memory_space<vmem>>, %arg8: memref<128xi32, #tpu.memory_space<vmem>>, %arg9: memref<128x128xf32, #tpu.memory_space<vmem>>, %arg10: memref<10112x128xf32, #tpu.memory_space<vmem_shared>>, %arg11: memref<!tpu.dma_semaphore, #tpu.memory_space<semaphore_mem>>) attributes {dimension_semantics = [#tpu.dimension_semantics<core_parallel>, #tpu.dimension_semantics<subcore_parallel>], iteration_bounds = array<i64: 2, 16>, scalar_prefetch = 0 : i64, scratch_operands = 5 : i64, tpu.core_type = #tpu.core_type<sc_vector_subcore>, window_params = [{transform_indices = #map}, {transform_indices = #map1}, {transform_indices = #map1}, {transform_indices = #map}, {transform_indices = #map2}]} {
    %mul3A = arith.constant 2 : i32
    %mul3A_0 = arith.muli %arg1, %mul3A : i32
    %add3A = arith.addi %mul3A_0, %arg0 : i32
    %mul3A_1 = arith.constant 632 : i32
    %mul3A_2 = arith.muli %arg1, %mul3A_1 : i32
    %multiple_of3A = tpu.assume_multiple %mul3A_2, 8 : i32
    "tpu.region"() ({
      %run_scoped3A = tpu.sem_alloc : memref<!tpu.dma_semaphore, #tpu.memory_space<semaphore_mem>>
      %dma_start3A = arith.constant 0 : i32
      %dma_start3A_11 = tpu.memref_slice %arg10[%multiple_of3A, %dma_start3A] : memref<10112x128xf32, #tpu.memory_space<vmem_shared>> -> memref<632x128xf32, #tpu.memory_space<vmem_shared>>
      tpu.enqueue_dma source(%arg5 : memref<632x128xf32, #tpu.memory_space<hbm>>) target(%dma_start3A_11 : memref<632x128xf32, #tpu.memory_space<vmem_shared>>) target_semaphore(%run_scoped3A : memref<!tpu.dma_semaphore, #tpu.memory_space<semaphore_mem>>)
      %dma_wait3A = arith.constant 0 : i32
      %dma_wait3A_12 = tpu.memref_slice %arg10[%multiple_of3A, %dma_wait3A] : memref<10112x128xf32, #tpu.memory_space<vmem_shared>> -> memref<632x128xf32, #tpu.memory_space<vmem_shared>>
      tpu.wait_dma2 semaphore(%run_scoped3A : memref<!tpu.dma_semaphore, #tpu.memory_space<semaphore_mem>>) src(%arg5 : memref<632x128xf32, #tpu.memory_space<hbm>>) dst(%dma_wait3A_12 : memref<632x128xf32, #tpu.memory_space<vmem_shared>>)
      tpu.yield
    }) : () -> ()
    %barrier3A = arith.constant 0 : index
    tpu.barrier barrier_id(%barrier3A)
    %mul3A_3 = arith.constant 80 : i32
    %mul3A_4 = arith.muli %add3A, %mul3A_3 : i32
    %scan3A = arith.constant 0 : i32
    %scan3A_5 = arith.constant 0 : i32
    %scan3A_6 = arith.constant 80 : i32
    %scan3A_7 = arith.addi %scan3A_5, %scan3A_6 : i32
    %scan3A_8 = arith.constant 1 : i32
    scf.for %scan3A_11 = %scan3A_5 to %scan3A_7 step %scan3A_8  : i32 {
      %add3A_12 = arith.addi %mul3A_4, %scan3A_11 : i32
      %mul3A_13 = arith.constant 128 : i32
      %mul3A_14 = arith.muli %add3A_12, %mul3A_13 : i32
      %multiple_of3A_15 = tpu.assume_multiple %mul3A_14, 128 : i32
      "tpu.region"() ({
        %run_scoped3A = tpu.sem_alloc : memref<!tpu.dma_semaphore, #tpu.memory_space<semaphore_mem>>
        %dma_start3A_20 = tpu.memref_slice %arg3[%multiple_of3A_15] : memref<328192xi32, #tpu.memory_space<hbm>> -> memref<128xi32, #tpu.memory_space<hbm>>
        %dma_start3A_21 = tpu.memref_slice %arg3[%multiple_of3A_15] : memref<328192xi32, #tpu.memory_space<hbm>> -> memref<128xi32, #tpu.memory_space<hbm>>
        tpu.enqueue_dma source(%dma_start3A_21 : memref<128xi32, #tpu.memory_space<hbm>>) target(%arg7 : memref<128xi32, #tpu.memory_space<vmem>>) target_semaphore(%run_scoped3A : memref<!tpu.dma_semaphore, #tpu.memory_space<semaphore_mem>>)
        %dma_wait3A_22 = tpu.memref_slice %arg3[%multiple_of3A_15] : memref<328192xi32, #tpu.memory_space<hbm>> -> memref<128xi32, #tpu.memory_space<hbm>>
        %dma_wait3A_23 = tpu.memref_slice %arg3[%multiple_of3A_15] : memref<328192xi32, #tpu.memory_space<hbm>> -> memref<128xi32, #tpu.memory_space<hbm>>
        tpu.wait_dma2 semaphore(%run_scoped3A : memref<!tpu.dma_semaphore, #tpu.memory_space<semaphore_mem>>) src(%dma_wait3A_23 : memref<128xi32, #tpu.memory_space<hbm>>) dst(%arg7 : memref<128xi32, #tpu.memory_space<vmem>>)
        tpu.yield
      }) : () -> ()
      "tpu.region"() ({
        %run_scoped3A = tpu.sem_alloc : memref<!tpu.dma_semaphore, #tpu.memory_space<semaphore_mem>>
        %dma_start3A_20 = tpu.memref_slice %arg4[%multiple_of3A_15] : memref<328192xi32, #tpu.memory_space<hbm>> -> memref<128xi32, #tpu.memory_space<hbm>>
        %dma_start3A_21 = tpu.memref_slice %arg4[%multiple_of3A_15] : memref<328192xi32, #tpu.memory_space<hbm>> -> memref<128xi32, #tpu.memory_space<hbm>>
        tpu.enqueue_dma source(%dma_start3A_21 : memref<128xi32, #tpu.memory_space<hbm>>) target(%arg8 : memref<128xi32, #tpu.memory_space<vmem>>) target_semaphore(%run_scoped3A : memref<!tpu.dma_semaphore, #tpu.memory_space<semaphore_mem>>)
        %dma_wait3A_22 = tpu.memref_slice %arg4[%multiple_of3A_15] : memref<328192xi32, #tpu.memory_space<hbm>> -> memref<128xi32, #tpu.memory_space<hbm>>
        %dma_wait3A_23 = tpu.memref_slice %arg4[%multiple_of3A_15] : memref<328192xi32, #tpu.memory_space<hbm>> -> memref<128xi32, #tpu.memory_space<hbm>>
        tpu.wait_dma2 semaphore(%run_scoped3A : memref<!tpu.dma_semaphore, #tpu.memory_space<semaphore_mem>>) src(%dma_wait3A_23 : memref<128xi32, #tpu.memory_space<hbm>>) dst(%arg8 : memref<128xi32, #tpu.memory_space<vmem>>)
        tpu.yield
      }) : () -> ()
      %dma_start3A = arith.constant 0 : i32
      %dma_start3A_16 = arith.constant 0 : i32
      %dma_start3A_17 = tpu.memref_slice %arg2[%dma_start3A, %dma_start3A_16] : memref<10000x128xf32, #tpu.memory_space<hbm>> -> memref<10000x128xf32, #tpu.memory_space<hbm>>
      tpu.enqueue_indirect_dma source(%dma_start3A_17 : memref<10000x128xf32, #tpu.memory_space<hbm>>) target(%arg9 : memref<128x128xf32, #tpu.memory_space<vmem>>) offsets(%arg7 : memref<128xi32, #tpu.memory_space<vmem>>) semaphore(%arg11 : memref<!tpu.dma_semaphore, #tpu.memory_space<semaphore_mem>>)
      %dma_wait3A = arith.constant 0 : i32
      %dma_wait3A_18 = arith.constant 0 : i32
      %dma_wait3A_19 = tpu.memref_slice %arg2[%dma_wait3A, %dma_wait3A_18] : memref<10000x128xf32, #tpu.memory_space<hbm>> -> memref<10000x128xf32, #tpu.memory_space<hbm>>
      tpu.wait_indirect_dma semaphore(%arg11 : memref<!tpu.dma_semaphore, #tpu.memory_space<semaphore_mem>>) src(%dma_wait3A_19 : memref<10000x128xf32, #tpu.memory_space<hbm>>) dst(%arg9 : memref<128x128xf32, #tpu.memory_space<vmem>>)
      "tpu.region"() ({
        %run_scoped3A = tpu.sem_alloc : memref<!tpu.dma_semaphore, #tpu.memory_space<semaphore_mem>>
        %dma_start3A_20 = arith.constant 0 : i32
        %dma_start3A_21 = arith.constant 0 : i32
        %dma_start3A_22 = tpu.memref_slice %arg10[%dma_start3A_20, %dma_start3A_21] : memref<10112x128xf32, #tpu.memory_space<vmem_shared>> -> memref<10112x128xf32, #tpu.memory_space<vmem_shared>>
        tpu.enqueue_indirect_dma source(%arg9 : memref<128x128xf32, #tpu.memory_space<vmem>>) target(%dma_start3A_22 : memref<10112x128xf32, #tpu.memory_space<vmem_shared>>) offsets(%arg8 : memref<128xi32, #tpu.memory_space<vmem>>) semaphore(%run_scoped3A : memref<!tpu.dma_semaphore, #tpu.memory_space<semaphore_mem>>) {add = true}
        %dma_wait3A_23 = arith.constant 0 : i32
        %dma_wait3A_24 = arith.constant 0 : i32
        %dma_wait3A_25 = tpu.memref_slice %arg10[%dma_wait3A_23, %dma_wait3A_24] : memref<10112x128xf32, #tpu.memory_space<vmem_shared>> -> memref<10112x128xf32, #tpu.memory_space<vmem_shared>>
        tpu.wait_indirect_dma semaphore(%run_scoped3A : memref<!tpu.dma_semaphore, #tpu.memory_space<semaphore_mem>>) src(%arg9 : memref<128x128xf32, #tpu.memory_space<vmem>>) dst(%dma_wait3A_25 : memref<10112x128xf32, #tpu.memory_space<vmem_shared>>)
        tpu.yield
      }) : () -> ()
    }
    %scan3A_9 = arith.constant 80 : i32
    %barrier3A_10 = arith.constant 0 : index
    tpu.barrier barrier_id(%barrier3A_10)
    "tpu.region"() ({
      %run_scoped3A = tpu.sem_alloc : memref<!tpu.dma_semaphore, #tpu.memory_space<semaphore_mem>>
      %dma_start3A = arith.constant 0 : i32
      %dma_start3A_11 = tpu.memref_slice %arg6[%arg0, %multiple_of3A, %dma_start3A] : memref<2x10112x128xf32, #tpu.memory_space<hbm>> -> memref<1x632x128xf32, #tpu.memory_space<hbm>>
      %dma_start3A_12 = tpu.memref_squeeze %dma_start3A_11 : memref<1x632x128xf32, #tpu.memory_space<hbm>> -> memref<632x128xf32, #tpu.memory_space<hbm>>
      %dma_start3A_13 = arith.constant 0 : i32
      %dma_start3A_14 = tpu.memref_slice %arg10[%multiple_of3A, %dma_start3A_13] : memref<10112x128xf32, #tpu.memory_space<vmem_shared>> -> memref<632x128xf32, #tpu.memory_space<vmem_shared>>
      tpu.enqueue_dma source(%dma_start3A_14 : memref<632x128xf32, #tpu.memory_space<vmem_shared>>) target(%dma_start3A_12 : memref<632x128xf32, #tpu.memory_space<hbm>>) target_semaphore(%run_scoped3A : memref<!tpu.dma_semaphore, #tpu.memory_space<semaphore_mem>>)
      %dma_wait3A = arith.constant 0 : i32
      %dma_wait3A_15 = tpu.memref_slice %arg6[%arg0, %multiple_of3A, %dma_wait3A] : memref<2x10112x128xf32, #tpu.memory_space<hbm>> -> memref<1x632x128xf32, #tpu.memory_space<hbm>>
      %dma_wait3A_16 = tpu.memref_squeeze %dma_wait3A_15 : memref<1x632x128xf32, #tpu.memory_space<hbm>> -> memref<632x128xf32, #tpu.memory_space<hbm>>
      %dma_wait3A_17 = arith.constant 0 : i32
      %dma_wait3A_18 = tpu.memref_slice %arg10[%multiple_of3A, %dma_wait3A_17] : memref<10112x128xf32, #tpu.memory_space<vmem_shared>> -> memref<632x128xf32, #tpu.memory_space<vmem_shared>>
      tpu.wait_dma2 semaphore(%run_scoped3A : memref<!tpu.dma_semaphore, #tpu.memory_space<semaphore_mem>>) src(%dma_wait3A_18 : memref<632x128xf32, #tpu.memory_space<vmem_shared>>) dst(%dma_wait3A_16 : memref<632x128xf32, #tpu.memory_space<hbm>>)
      tpu.yield
    }) : () -> ()
    return
  }
}

#map = affine_map<(d0, d1) -> (0, 0)>
#map1 = affine_map<(d0, d1) -> (0)>
#map2 = affine_map<(d0, d1) -> (0, 0, 0)>
module attributes {stable_mosaic.version = 14 : i64} {
  func.func @body(%arg0: i32, %arg1: i32, %arg2: memref<10000x128xf32, #tpu.memory_space<hbm>>, %arg3: memref<328192xi32, #tpu.memory_space<hbm>>, %arg4: memref<328192xi32, #tpu.memory_space<hbm>>, %arg5: memref<632x128xf32, #tpu.memory_space<hbm>>, %arg6: memref<2x10112x128xf32, #tpu.memory_space<hbm>>, %arg7: memref<128xi32, #tpu.memory_space<vmem>>, %arg8: memref<128xi32, #tpu.memory_space<vmem>>, %arg9: memref<128x128xf32, #tpu.memory_space<vmem>>, %arg10: memref<10112x128xf32, #tpu.memory_space<vmem_shared>>, %arg11: memref<!tpu.dma_semaphore, #tpu.memory_space<semaphore_mem>>) attributes {dimension_semantics = [#tpu.dimension_semantics<core_parallel>, #tpu.dimension_semantics<subcore_parallel>], iteration_bounds = array<i64: 2, 16>, scalar_prefetch = 0 : i64, scratch_operands = 5 : i64, tpu.core_type = #tpu.core_type<sc_vector_subcore>, window_params = [{transform_indices = #map}, {transform_indices = #map1}, {transform_indices = #map1}, {transform_indices = #map}, {transform_indices = #map2}]} {
    %mul3A = arith.constant 2 : i32
    %mul3A_0 = arith.muli %arg1, %mul3A : i32
    %add3A = arith.addi %mul3A_0, %arg0 : i32
    %mul3A_1 = arith.constant 632 : i32
    %mul3A_2 = arith.muli %arg1, %mul3A_1 : i32
    %multiple_of3A = tpu.assume_multiple %mul3A_2, 8 : i32
    "tpu.region"() ({
      %run_scoped3A = tpu.sem_alloc : memref<!tpu.dma_semaphore, #tpu.memory_space<semaphore_mem>>
      %dma_start3A = arith.constant 0 : i32
      %dma_start3A_11 = tpu.memref_slice %arg10[%multiple_of3A, %dma_start3A] : memref<10112x128xf32, #tpu.memory_space<vmem_shared>> -> memref<632x128xf32, #tpu.memory_space<vmem_shared>>
      tpu.enqueue_dma source(%arg5 : memref<632x128xf32, #tpu.memory_space<hbm>>) target(%dma_start3A_11 : memref<632x128xf32, #tpu.memory_space<vmem_shared>>) target_semaphore(%run_scoped3A : memref<!tpu.dma_semaphore, #tpu.memory_space<semaphore_mem>>)
      %dma_wait3A = arith.constant 0 : i32
      %dma_wait3A_12 = tpu.memref_slice %arg10[%multiple_of3A, %dma_wait3A] : memref<10112x128xf32, #tpu.memory_space<vmem_shared>> -> memref<632x128xf32, #tpu.memory_space<vmem_shared>>
      tpu.wait_dma2 semaphore(%run_scoped3A : memref<!tpu.dma_semaphore, #tpu.memory_space<semaphore_mem>>) src(%arg5 : memref<632x128xf32, #tpu.memory_space<hbm>>) dst(%dma_wait3A_12 : memref<632x128xf32, #tpu.memory_space<vmem_shared>>)
      tpu.yield
    }) : () -> ()
    %barrier3A = arith.constant 0 : index
    tpu.barrier barrier_id(%barrier3A)
    %mul3A_3 = arith.constant 80 : i32
    %mul3A_4 = arith.muli %add3A, %mul3A_3 : i32
    %scan3A = arith.constant 0 : i32
    %scan3A_5 = arith.constant 0 : i32
    %scan3A_6 = arith.constant 80 : i32
    %scan3A_7 = arith.addi %scan3A_5, %scan3A_6 : i32
    %scan3A_8 = arith.constant 1 : i32
    scf.for %scan3A_11 = %scan3A_5 to %scan3A_7 step %scan3A_8  : i32 {
      %add3A_12 = arith.addi %mul3A_4, %scan3A_11 : i32
      %mul3A_13 = arith.constant 128 : i32
      %mul3A_14 = arith.muli %add3A_12, %mul3A_13 : i32
      %multiple_of3A_15 = tpu.assume_multiple %mul3A_14, 128 : i32
      "tpu.region"() ({
        %run_scoped3A = tpu.sem_alloc : memref<!tpu.dma_semaphore, #tpu.memory_space<semaphore_mem>>
        %dma_start3A_20 = tpu.memref_slice %arg3[%multiple_of3A_15] : memref<328192xi32, #tpu.memory_space<hbm>> -> memref<128xi32, #tpu.memory_space<hbm>>
        %dma_start3A_21 = tpu.memref_slice %arg3[%multiple_of3A_15] : memref<328192xi32, #tpu.memory_space<hbm>> -> memref<128xi32, #tpu.memory_space<hbm>>
        tpu.enqueue_dma source(%dma_start3A_21 : memref<128xi32, #tpu.memory_space<hbm>>) target(%arg7 : memref<128xi32, #tpu.memory_space<vmem>>) target_semaphore(%run_scoped3A : memref<!tpu.dma_semaphore, #tpu.memory_space<semaphore_mem>>)
        %dma_wait3A_22 = tpu.memref_slice %arg3[%multiple_of3A_15] : memref<328192xi32, #tpu.memory_space<hbm>> -> memref<128xi32, #tpu.memory_space<hbm>>
        %dma_wait3A_23 = tpu.memref_slice %arg3[%multiple_of3A_15] : memref<328192xi32, #tpu.memory_space<hbm>> -> memref<128xi32, #tpu.memory_space<hbm>>
        tpu.wait_dma2 semaphore(%run_scoped3A : memref<!tpu.dma_semaphore, #tpu.memory_space<semaphore_mem>>) src(%dma_wait3A_23 : memref<128xi32, #tpu.memory_space<hbm>>) dst(%arg7 : memref<128xi32, #tpu.memory_space<vmem>>)
        tpu.yield
      }) : () -> ()
      "tpu.region"() ({
        %run_scoped3A = tpu.sem_alloc : memref<!tpu.dma_semaphore, #tpu.memory_space<semaphore_mem>>
        %dma_start3A_20 = tpu.memref_slice %arg4[%multiple_of3A_15] : memref<328192xi32, #tpu.memory_space<hbm>> -> memref<128xi32, #tpu.memory_space<hbm>>
        %dma_start3A_21 = tpu.memref_slice %arg4[%multiple_of3A_15] : memref<328192xi32, #tpu.memory_space<hbm>> -> memref<128xi32, #tpu.memory_space<hbm>>
        tpu.enqueue_dma source(%dma_start3A_21 : memref<128xi32, #tpu.memory_space<hbm>>) target(%arg8 : memref<128xi32, #tpu.memory_space<vmem>>) target_semaphore(%run_scoped3A : memref<!tpu.dma_semaphore, #tpu.memory_space<semaphore_mem>>)
        %dma_wait3A_22 = tpu.memref_slice %arg4[%multiple_of3A_15] : memref<328192xi32, #tpu.memory_space<hbm>> -> memref<128xi32, #tpu.memory_space<hbm>>
        %dma_wait3A_23 = tpu.memref_slice %arg4[%multiple_of3A_15] : memref<328192xi32, #tpu.memory_space<hbm>> -> memref<128xi32, #tpu.memory_space<hbm>>
        tpu.wait_dma2 semaphore(%run_scoped3A : memref<!tpu.dma_semaphore, #tpu.memory_space<semaphore_mem>>) src(%dma_wait3A_23 : memref<128xi32, #tpu.memory_space<hbm>>) dst(%arg8 : memref<128xi32, #tpu.memory_space<vmem>>)
        tpu.yield
      }) : () -> ()
      %dma_start3A = arith.constant 0 : i32
      %dma_start3A_16 = arith.constant 0 : i32
      %dma_start3A_17 = tpu.memref_slice %arg2[%dma_start3A, %dma_start3A_16] : memref<10000x128xf32, #tpu.memory_space<hbm>> -> memref<10000x128xf32, #tpu.memory_space<hbm>>
      tpu.enqueue_indirect_dma source(%dma_start3A_17 : memref<10000x128xf32, #tpu.memory_space<hbm>>) target(%arg9 : memref<128x128xf32, #tpu.memory_space<vmem>>) offsets(%arg7 : memref<128xi32, #tpu.memory_space<vmem>>) semaphore(%arg11 : memref<!tpu.dma_semaphore, #tpu.memory_space<semaphore_mem>>)
      %dma_wait3A = arith.constant 0 : i32
      %dma_wait3A_18 = arith.constant 0 : i32
      %dma_wait3A_19 = tpu.memref_slice %arg2[%dma_wait3A, %dma_wait3A_18] : memref<10000x128xf32, #tpu.memory_space<hbm>> -> memref<10000x128xf32, #tpu.memory_space<hbm>>
      tpu.wait_indirect_dma semaphore(%arg11 : memref<!tpu.dma_semaphore, #tpu.memory_space<semaphore_mem>>) src(%dma_wait3A_19 : memref<10000x128xf32, #tpu.memory_space<hbm>>) dst(%arg9 : memref<128x128xf32, #tpu.memory_space<vmem>>)
      "tpu.region"() ({
        %run_scoped3A = tpu.sem_alloc : memref<!tpu.dma_semaphore, #tpu.memory_space<semaphore_mem>>
        %dma_start3A_20 = arith.constant 0 : i32
        %dma_start3A_21 = arith.constant 0 : i32
        %dma_start3A_22 = tpu.memref_slice %arg10[%dma_start3A_20, %dma_start3A_21] : memref<10112x128xf32, #tpu.memory_space<vmem_shared>> -> memref<10112x128xf32, #tpu.memory_space<vmem_shared>>
        tpu.enqueue_indirect_dma source(%arg9 : memref<128x128xf32, #tpu.memory_space<vmem>>) target(%dma_start3A_22 : memref<10112x128xf32, #tpu.memory_space<vmem_shared>>) offsets(%arg8 : memref<128xi32, #tpu.memory_space<vmem>>) semaphore(%run_scoped3A : memref<!tpu.dma_semaphore, #tpu.memory_space<semaphore_mem>>) {add = true}
        %dma_wait3A_23 = arith.constant 0 : i32
        %dma_wait3A_24 = arith.constant 0 : i32
        %dma_wait3A_25 = tpu.memref_slice %arg10[%dma_wait3A_23, %dma_wait3A_24] : memref<10112x128xf32, #tpu.memory_space<vmem_shared>> -> memref<10112x128xf32, #tpu.memory_space<vmem_shared>>
        tpu.wait_indirect_dma semaphore(%run_scoped3A : memref<!tpu.dma_semaphore, #tpu.memory_space<semaphore_mem>>) src(%arg9 : memref<128x128xf32, #tpu.memory_space<vmem>>) dst(%dma_wait3A_25 : memref<10112x128xf32, #tpu.memory_space<vmem_shared>>)
        tpu.yield
      }) : () -> ()
    }
    %scan3A_9 = arith.constant 80 : i32
    %barrier3A_10 = arith.constant 0 : index
    tpu.barrier barrier_id(%barrier3A_10)
    "tpu.region"() ({
      %run_scoped3A = tpu.sem_alloc : memref<!tpu.dma_semaphore, #tpu.memory_space<semaphore_mem>>
      %dma_start3A = arith.constant 0 : i32
      %dma_start3A_11 = tpu.memref_slice %arg6[%arg0, %multiple_of3A, %dma_start3A] : memref<2x10112x128xf32, #tpu.memory_space<hbm>> -> memref<1x632x128xf32, #tpu.memory_space<hbm>>
      %dma_start3A_12 = tpu.memref_squeeze %dma_start3A_11 : memref<1x632x128xf32, #tpu.memory_space<hbm>> -> memref<632x128xf32, #tpu.memory_space<hbm>>
      %dma_start3A_13 = arith.constant 0 : i32
      %dma_start3A_14 = tpu.memref_slice %arg10[%multiple_of3A, %dma_start3A_13] : memref<10112x128xf32, #tpu.memory_space<vmem_shared>> -> memref<632x128xf32, #tpu.memory_space<vmem_shared>>
      tpu.enqueue_dma source(%dma_start3A_14 : memref<632x128xf32, #tpu.memory_space<vmem_shared>>) target(%dma_start3A_12 : memref<632x128xf32, #tpu.memory_space<hbm>>) target_semaphore(%run_scoped3A : memref<!tpu.dma_semaphore, #tpu.memory_space<semaphore_mem>>)
      %dma_wait3A = arith.constant 0 : i32
      %dma_wait3A_15 = tpu.memref_slice %arg6[%arg0, %multiple_of3A, %dma_wait3A] : memref<2x10112x128xf32, #tpu.memory_space<hbm>> -> memref<1x632x128xf32, #tpu.memory_space<hbm>>
      %dma_wait3A_16 = tpu.memref_squeeze %dma_wait3A_15 : memref<1x632x128xf32, #tpu.memory_space<hbm>> -> memref<632x128xf32, #tpu.memory_space<hbm>>
      %dma_wait3A_17 = arith.constant 0 : i32
      %dma_wait3A_18 = tpu.memref_slice %arg10[%multiple_of3A, %dma_wait3A_17] : memref<10112x128xf32, #tpu.memory_space<vmem_shared>> -> memref<632x128xf32, #tpu.memory_space<vmem_shared>>
      tpu.wait_dma2 semaphore(%run_scoped3A : memref<!tpu.dma_semaphore, #tpu.memory_space<semaphore_mem>>) src(%dma_wait3A_18 : memref<632x128xf32, #tpu.memory_space<vmem_shared>>) dst(%dma_wait3A_16 : memref<632x128xf32, #tpu.memory_space<hbm>>)
      tpu.yield
    }) : () -> ()
    return
  }
}

#map = affine_map<(d0, d1) -> (0, 0)>
#map1 = affine_map<(d0, d1) -> (0)>
#map2 = affine_map<(d0, d1) -> (0, 0, 0)>
module attributes {stable_mosaic.version = 14 : i64} {
  func.func @body(%arg0: i32, %arg1: i32, %arg2: memref<10000x128xf32, #tpu.memory_space<hbm>>, %arg3: memref<328192xi32, #tpu.memory_space<hbm>>, %arg4: memref<328192xi32, #tpu.memory_space<hbm>>, %arg5: memref<632x128xf32, #tpu.memory_space<hbm>>, %arg6: memref<2x10112x128xf32, #tpu.memory_space<hbm>>, %arg7: memref<128xi32, #tpu.memory_space<vmem>>, %arg8: memref<128xi32, #tpu.memory_space<vmem>>, %arg9: memref<128x128xf32, #tpu.memory_space<vmem>>, %arg10: memref<10112x128xf32, #tpu.memory_space<vmem_shared>>, %arg11: memref<!tpu.dma_semaphore, #tpu.memory_space<semaphore_mem>>) attributes {dimension_semantics = [#tpu.dimension_semantics<core_parallel>, #tpu.dimension_semantics<subcore_parallel>], iteration_bounds = array<i64: 2, 16>, scalar_prefetch = 0 : i64, scratch_operands = 5 : i64, tpu.core_type = #tpu.core_type<sc_vector_subcore>, window_params = [{transform_indices = #map}, {transform_indices = #map1}, {transform_indices = #map1}, {transform_indices = #map}, {transform_indices = #map2}]} {
    %mul3A = arith.constant 2 : i32
    %mul3A_0 = arith.muli %arg1, %mul3A : i32
    %add3A = arith.addi %mul3A_0, %arg0 : i32
    %mul3A_1 = arith.constant 632 : i32
    %mul3A_2 = arith.muli %arg1, %mul3A_1 : i32
    %multiple_of3A = tpu.assume_multiple %mul3A_2, 8 : i32
    "tpu.region"() ({
      %run_scoped3A = tpu.sem_alloc : memref<!tpu.dma_semaphore, #tpu.memory_space<semaphore_mem>>
      %dma_start3A = arith.constant 0 : i32
      %dma_start3A_11 = tpu.memref_slice %arg10[%multiple_of3A, %dma_start3A] : memref<10112x128xf32, #tpu.memory_space<vmem_shared>> -> memref<632x128xf32, #tpu.memory_space<vmem_shared>>
      tpu.enqueue_dma source(%arg5 : memref<632x128xf32, #tpu.memory_space<hbm>>) target(%dma_start3A_11 : memref<632x128xf32, #tpu.memory_space<vmem_shared>>) target_semaphore(%run_scoped3A : memref<!tpu.dma_semaphore, #tpu.memory_space<semaphore_mem>>)
      %dma_wait3A = arith.constant 0 : i32
      %dma_wait3A_12 = tpu.memref_slice %arg10[%multiple_of3A, %dma_wait3A] : memref<10112x128xf32, #tpu.memory_space<vmem_shared>> -> memref<632x128xf32, #tpu.memory_space<vmem_shared>>
      tpu.wait_dma2 semaphore(%run_scoped3A : memref<!tpu.dma_semaphore, #tpu.memory_space<semaphore_mem>>) src(%arg5 : memref<632x128xf32, #tpu.memory_space<hbm>>) dst(%dma_wait3A_12 : memref<632x128xf32, #tpu.memory_space<vmem_shared>>)
      tpu.yield
    }) : () -> ()
    %barrier3A = arith.constant 0 : index
    tpu.barrier barrier_id(%barrier3A)
    %mul3A_3 = arith.constant 80 : i32
    %mul3A_4 = arith.muli %add3A, %mul3A_3 : i32
    %scan3A = arith.constant 0 : i32
    %scan3A_5 = arith.constant 0 : i32
    %scan3A_6 = arith.constant 80 : i32
    %scan3A_7 = arith.addi %scan3A_5, %scan3A_6 : i32
    %scan3A_8 = arith.constant 1 : i32
    scf.for %scan3A_11 = %scan3A_5 to %scan3A_7 step %scan3A_8  : i32 {
      %add3A_12 = arith.addi %mul3A_4, %scan3A_11 : i32
      %mul3A_13 = arith.constant 128 : i32
      %mul3A_14 = arith.muli %add3A_12, %mul3A_13 : i32
      %multiple_of3A_15 = tpu.assume_multiple %mul3A_14, 128 : i32
      "tpu.region"() ({
        %run_scoped3A = tpu.sem_alloc : memref<!tpu.dma_semaphore, #tpu.memory_space<semaphore_mem>>
        %dma_start3A_20 = tpu.memref_slice %arg3[%multiple_of3A_15] : memref<328192xi32, #tpu.memory_space<hbm>> -> memref<128xi32, #tpu.memory_space<hbm>>
        %dma_start3A_21 = tpu.memref_slice %arg3[%multiple_of3A_15] : memref<328192xi32, #tpu.memory_space<hbm>> -> memref<128xi32, #tpu.memory_space<hbm>>
        tpu.enqueue_dma source(%dma_start3A_21 : memref<128xi32, #tpu.memory_space<hbm>>) target(%arg7 : memref<128xi32, #tpu.memory_space<vmem>>) target_semaphore(%run_scoped3A : memref<!tpu.dma_semaphore, #tpu.memory_space<semaphore_mem>>)
        %dma_wait3A_22 = tpu.memref_slice %arg3[%multiple_of3A_15] : memref<328192xi32, #tpu.memory_space<hbm>> -> memref<128xi32, #tpu.memory_space<hbm>>
        %dma_wait3A_23 = tpu.memref_slice %arg3[%multiple_of3A_15] : memref<328192xi32, #tpu.memory_space<hbm>> -> memref<128xi32, #tpu.memory_space<hbm>>
        tpu.wait_dma2 semaphore(%run_scoped3A : memref<!tpu.dma_semaphore, #tpu.memory_space<semaphore_mem>>) src(%dma_wait3A_23 : memref<128xi32, #tpu.memory_space<hbm>>) dst(%arg7 : memref<128xi32, #tpu.memory_space<vmem>>)
        tpu.yield
      }) : () -> ()
      "tpu.region"() ({
        %run_scoped3A = tpu.sem_alloc : memref<!tpu.dma_semaphore, #tpu.memory_space<semaphore_mem>>
        %dma_start3A_20 = tpu.memref_slice %arg4[%multiple_of3A_15] : memref<328192xi32, #tpu.memory_space<hbm>> -> memref<128xi32, #tpu.memory_space<hbm>>
        %dma_start3A_21 = tpu.memref_slice %arg4[%multiple_of3A_15] : memref<328192xi32, #tpu.memory_space<hbm>> -> memref<128xi32, #tpu.memory_space<hbm>>
        tpu.enqueue_dma source(%dma_start3A_21 : memref<128xi32, #tpu.memory_space<hbm>>) target(%arg8 : memref<128xi32, #tpu.memory_space<vmem>>) target_semaphore(%run_scoped3A : memref<!tpu.dma_semaphore, #tpu.memory_space<semaphore_mem>>)
        %dma_wait3A_22 = tpu.memref_slice %arg4[%multiple_of3A_15] : memref<328192xi32, #tpu.memory_space<hbm>> -> memref<128xi32, #tpu.memory_space<hbm>>
        %dma_wait3A_23 = tpu.memref_slice %arg4[%multiple_of3A_15] : memref<328192xi32, #tpu.memory_space<hbm>> -> memref<128xi32, #tpu.memory_space<hbm>>
        tpu.wait_dma2 semaphore(%run_scoped3A : memref<!tpu.dma_semaphore, #tpu.memory_space<semaphore_mem>>) src(%dma_wait3A_23 : memref<128xi32, #tpu.memory_space<hbm>>) dst(%arg8 : memref<128xi32, #tpu.memory_space<vmem>>)
        tpu.yield
      }) : () -> ()
      %dma_start3A = arith.constant 0 : i32
      %dma_start3A_16 = arith.constant 0 : i32
      %dma_start3A_17 = tpu.memref_slice %arg2[%dma_start3A, %dma_start3A_16] : memref<10000x128xf32, #tpu.memory_space<hbm>> -> memref<10000x128xf32, #tpu.memory_space<hbm>>
      tpu.enqueue_indirect_dma source(%dma_start3A_17 : memref<10000x128xf32, #tpu.memory_space<hbm>>) target(%arg9 : memref<128x128xf32, #tpu.memory_space<vmem>>) offsets(%arg7 : memref<128xi32, #tpu.memory_space<vmem>>) semaphore(%arg11 : memref<!tpu.dma_semaphore, #tpu.memory_space<semaphore_mem>>)
      %dma_wait3A = arith.constant 0 : i32
      %dma_wait3A_18 = arith.constant 0 : i32
      %dma_wait3A_19 = tpu.memref_slice %arg2[%dma_wait3A, %dma_wait3A_18] : memref<10000x128xf32, #tpu.memory_space<hbm>> -> memref<10000x128xf32, #tpu.memory_space<hbm>>
      tpu.wait_indirect_dma semaphore(%arg11 : memref<!tpu.dma_semaphore, #tpu.memory_space<semaphore_mem>>) src(%dma_wait3A_19 : memref<10000x128xf32, #tpu.memory_space<hbm>>) dst(%arg9 : memref<128x128xf32, #tpu.memory_space<vmem>>)
      "tpu.region"() ({
        %run_scoped3A = tpu.sem_alloc : memref<!tpu.dma_semaphore, #tpu.memory_space<semaphore_mem>>
        %dma_start3A_20 = arith.constant 0 : i32
        %dma_start3A_21 = arith.constant 0 : i32
        %dma_start3A_22 = tpu.memref_slice %arg10[%dma_start3A_20, %dma_start3A_21] : memref<10112x128xf32, #tpu.memory_space<vmem_shared>> -> memref<10112x128xf32, #tpu.memory_space<vmem_shared>>
        tpu.enqueue_indirect_dma source(%arg9 : memref<128x128xf32, #tpu.memory_space<vmem>>) target(%dma_start3A_22 : memref<10112x128xf32, #tpu.memory_space<vmem_shared>>) offsets(%arg8 : memref<128xi32, #tpu.memory_space<vmem>>) semaphore(%run_scoped3A : memref<!tpu.dma_semaphore, #tpu.memory_space<semaphore_mem>>) {add = true}
        %dma_wait3A_23 = arith.constant 0 : i32
        %dma_wait3A_24 = arith.constant 0 : i32
        %dma_wait3A_25 = tpu.memref_slice %arg10[%dma_wait3A_23, %dma_wait3A_24] : memref<10112x128xf32, #tpu.memory_space<vmem_shared>> -> memref<10112x128xf32, #tpu.memory_space<vmem_shared>>
        tpu.wait_indirect_dma semaphore(%run_scoped3A : memref<!tpu.dma_semaphore, #tpu.memory_space<semaphore_mem>>) src(%arg9 : memref<128x128xf32, #tpu.memory_space<vmem>>) dst(%dma_wait3A_25 : memref<10112x128xf32, #tpu.memory_space<vmem_shared>>)
        tpu.yield
      }) : () -> ()
    }
    %scan3A_9 = arith.constant 80 : i32
    %barrier3A_10 = arith.constant 0 : index
    tpu.barrier barrier_id(%barrier3A_10)
    "tpu.region"() ({
      %run_scoped3A = tpu.sem_alloc : memref<!tpu.dma_semaphore, #tpu.memory_space<semaphore_mem>>
      %dma_start3A = arith.constant 0 : i32
      %dma_start3A_11 = tpu.memref_slice %arg6[%arg0, %multiple_of3A, %dma_start3A] : memref<2x10112x128xf32, #tpu.memory_space<hbm>> -> memref<1x632x128xf32, #tpu.memory_space<hbm>>
      %dma_start3A_12 = tpu.memref_squeeze %dma_start3A_11 : memref<1x632x128xf32, #tpu.memory_space<hbm>> -> memref<632x128xf32, #tpu.memory_space<hbm>>
      %dma_start3A_13 = arith.constant 0 : i32
      %dma_start3A_14 = tpu.memref_slice %arg10[%multiple_of3A, %dma_start3A_13] : memref<10112x128xf32, #tpu.memory_space<vmem_shared>> -> memref<632x128xf32, #tpu.memory_space<vmem_shared>>
      tpu.enqueue_dma source(%dma_start3A_14 : memref<632x128xf32, #tpu.memory_space<vmem_shared>>) target(%dma_start3A_12 : memref<632x128xf32, #tpu.memory_space<hbm>>) target_semaphore(%run_scoped3A : memref<!tpu.dma_semaphore, #tpu.memory_space<semaphore_mem>>)
      %dma_wait3A = arith.constant 0 : i32
      %dma_wait3A_15 = tpu.memref_slice %arg6[%arg0, %multiple_of3A, %dma_wait3A] : memref<2x10112x128xf32, #tpu.memory_space<hbm>> -> memref<1x632x128xf32, #tpu.memory_space<hbm>>
      %dma_wait3A_16 = tpu.memref_squeeze %dma_wait3A_15 : memref<1x632x128xf32, #tpu.memory_space<hbm>> -> memref<632x128xf32, #tpu.memory_space<hbm>>
      %dma_wait3A_17 = arith.constant 0 : i32
      %dma_wait3A_18 = tpu.memref_slice %arg10[%multiple_of3A, %dma_wait3A_17] : memref<10112x128xf32, #tpu.memory_space<vmem_shared>> -> memref<632x128xf32, #tpu.memory_space<vmem_shared>>
      tpu.wait_dma2 semaphore(%run_scoped3A : memref<!tpu.dma_semaphore, #tpu.memory_space<semaphore_mem>>) src(%dma_wait3A_18 : memref<632x128xf32, #tpu.memory_space<vmem_shared>>) dst(%dma_wait3A_16 : memref<632x128xf32, #tpu.memory_space<hbm>>)
      tpu.yield
    }) : () -> ()
    return
  }
}

#map = affine_map<(d0, d1) -> (0)>
#map1 = affine_map<(d0, d1) -> (0, 0)>
#map2 = affine_map<(d0, d1) -> (0, 0, 0)>
module attributes {stable_mosaic.version = 14 : i64} {
  func.func @body(%arg0: i32, %arg1: i32, %arg2: memref<328192xi32, #tpu.memory_space<hbm>>, %arg3: memref<632x128xf32, #tpu.memory_space<hbm>>, %arg4: memref<128x128xf32, #tpu.memory_space<hbm>>, %arg5: memref<2x10112x128xf32, #tpu.memory_space<hbm>>, %arg6: memref<128xi32, #tpu.memory_space<vmem>>, %arg7: memref<128xi32, #tpu.memory_space<vmem>>, %arg8: memref<128x128xf32, #tpu.memory_space<vmem>>, %arg9: memref<10112x128xf32, #tpu.memory_space<vmem_shared>>, %arg10: memref<!tpu.dma_semaphore, #tpu.memory_space<semaphore_mem>>, %arg11: memref<!tpu.dma_semaphore, #tpu.memory_space<semaphore_mem>>) attributes {dimension_semantics = [#tpu.dimension_semantics<core_parallel>, #tpu.dimension_semantics<subcore_parallel>], iteration_bounds = array<i64: 2, 16>, scalar_prefetch = 0 : i64, scratch_operands = 6 : i64, tpu.core_type = #tpu.core_type<sc_vector_subcore>, window_params = [{transform_indices = #map}, {transform_indices = #map1}, {transform_indices = #map1}, {transform_indices = #map2}]} {
    %mul3A = arith.constant 2 : i32
    %mul3A_0 = arith.muli %arg1, %mul3A : i32
    %add3A = arith.addi %mul3A_0, %arg0 : i32
    %mul3A_1 = arith.constant 632 : i32
    %mul3A_2 = arith.muli %arg1, %mul3A_1 : i32
    %multiple_of3A = tpu.assume_multiple %mul3A_2, 8 : i32
    "tpu.region"() ({
      %run_scoped3A = tpu.sem_alloc : memref<!tpu.dma_semaphore, #tpu.memory_space<semaphore_mem>>
      %dma_start3A_37 = arith.constant 0 : i32
      %dma_start3A_38 = tpu.memref_slice %arg9[%multiple_of3A, %dma_start3A_37] : memref<10112x128xf32, #tpu.memory_space<vmem_shared>> -> memref<632x128xf32, #tpu.memory_space<vmem_shared>>
      tpu.enqueue_dma source(%arg3 : memref<632x128xf32, #tpu.memory_space<hbm>>) target(%dma_start3A_38 : memref<632x128xf32, #tpu.memory_space<vmem_shared>>) target_semaphore(%run_scoped3A : memref<!tpu.dma_semaphore, #tpu.memory_space<semaphore_mem>>)
      %dma_wait3A_39 = arith.constant 0 : i32
      %dma_wait3A_40 = tpu.memref_slice %arg9[%multiple_of3A, %dma_wait3A_39] : memref<10112x128xf32, #tpu.memory_space<vmem_shared>> -> memref<632x128xf32, #tpu.memory_space<vmem_shared>>
      tpu.wait_dma2 semaphore(%run_scoped3A : memref<!tpu.dma_semaphore, #tpu.memory_space<semaphore_mem>>) src(%arg3 : memref<632x128xf32, #tpu.memory_space<hbm>>) dst(%dma_wait3A_40 : memref<632x128xf32, #tpu.memory_space<vmem_shared>>)
      tpu.yield
    }) : () -> ()
    "tpu.region"() ({
      %run_scoped3A = tpu.sem_alloc : memref<!tpu.dma_semaphore, #tpu.memory_space<semaphore_mem>>
      tpu.enqueue_dma source(%arg4 : memref<128x128xf32, #tpu.memory_space<hbm>>) target(%arg8 : memref<128x128xf32, #tpu.memory_space<vmem>>) target_semaphore(%run_scoped3A : memref<!tpu.dma_semaphore, #tpu.memory_space<semaphore_mem>>)
      tpu.wait_dma2 semaphore(%run_scoped3A : memref<!tpu.dma_semaphore, #tpu.memory_space<semaphore_mem>>) src(%arg4 : memref<128x128xf32, #tpu.memory_space<hbm>>) dst(%arg8 : memref<128x128xf32, #tpu.memory_space<vmem>>)
      tpu.yield
    }) : () -> ()
    %barrier3A = arith.constant 0 : index
    tpu.barrier barrier_id(%barrier3A)
    %mul3A_3 = arith.constant 80 : i32
    %mul3A_4 = arith.muli %add3A, %mul3A_3 : i32
    %add3A_5 = arith.constant 0 : i32
    %add3A_6 = arith.addi %mul3A_4, %add3A_5 : i32
    %mul3A_7 = arith.constant 128 : i32
    %mul3A_8 = arith.muli %add3A_6, %mul3A_7 : i32
    %multiple_of3A_9 = tpu.assume_multiple %mul3A_8, 128 : i32
    %dma_start3A = tpu.memref_slice %arg2[%multiple_of3A_9] : memref<328192xi32, #tpu.memory_space<hbm>> -> memref<128xi32, #tpu.memory_space<hbm>>
    %dma_start3A_10 = tpu.memref_slice %arg2[%multiple_of3A_9] : memref<328192xi32, #tpu.memory_space<hbm>> -> memref<128xi32, #tpu.memory_space<hbm>>
    tpu.enqueue_dma source(%dma_start3A_10 : memref<128xi32, #tpu.memory_space<hbm>>) target(%arg6 : memref<128xi32, #tpu.memory_space<vmem>>) target_semaphore(%arg10 : memref<!tpu.dma_semaphore, #tpu.memory_space<semaphore_mem>>)
    %add3A_11 = arith.constant 1 : i32
    %add3A_12 = arith.addi %mul3A_4, %add3A_11 : i32
    %mul3A_13 = arith.constant 128 : i32
    %mul3A_14 = arith.muli %add3A_12, %mul3A_13 : i32
    %multiple_of3A_15 = tpu.assume_multiple %mul3A_14, 128 : i32
    %dma_start3A_16 = tpu.memref_slice %arg2[%multiple_of3A_15] : memref<328192xi32, #tpu.memory_space<hbm>> -> memref<128xi32, #tpu.memory_space<hbm>>
    %dma_start3A_17 = tpu.memref_slice %arg2[%multiple_of3A_15] : memref<328192xi32, #tpu.memory_space<hbm>> -> memref<128xi32, #tpu.memory_space<hbm>>
    tpu.enqueue_dma source(%dma_start3A_17 : memref<128xi32, #tpu.memory_space<hbm>>) target(%arg7 : memref<128xi32, #tpu.memory_space<vmem>>) target_semaphore(%arg11 : memref<!tpu.dma_semaphore, #tpu.memory_space<semaphore_mem>>)
    %scan3A = arith.constant 0 : i32
    %scan3A_18 = arith.constant 0 : i32
    %scan3A_19 = arith.constant 40 : i32
    %scan3A_20 = arith.addi %scan3A_18, %scan3A_19 : i32
    %scan3A_21 = arith.constant 1 : i32
    scf.for %scan3A_37 = %scan3A_18 to %scan3A_20 step %scan3A_21  : i32 {
      %mul3A_38 = arith.constant 2 : i32
      %mul3A_39 = arith.muli %scan3A_37, %mul3A_38 : i32
      %add3A_40 = arith.constant 0 : i32
      %add3A_41 = arith.addi %mul3A_4, %add3A_40 : i32
      %mul3A_42 = arith.constant 128 : i32
      %mul3A_43 = arith.muli %add3A_41, %mul3A_42 : i32
      %multiple_of3A_44 = tpu.assume_multiple %mul3A_43, 128 : i32
      %dma_wait3A_45 = tpu.memref_slice %arg2[%multiple_of3A_44] : memref<328192xi32, #tpu.memory_space<hbm>> -> memref<128xi32, #tpu.memory_space<hbm>>
      %dma_wait3A_46 = tpu.memref_slice %arg2[%multiple_of3A_44] : memref<328192xi32, #tpu.memory_space<hbm>> -> memref<128xi32, #tpu.memory_space<hbm>>
      tpu.wait_dma2 semaphore(%arg10 : memref<!tpu.dma_semaphore, #tpu.memory_space<semaphore_mem>>) src(%dma_wait3A_46 : memref<128xi32, #tpu.memory_space<hbm>>) dst(%arg6 : memref<128xi32, #tpu.memory_space<vmem>>)
      "tpu.region"() ({
        %run_scoped3A = tpu.sem_alloc : memref<!tpu.dma_semaphore, #tpu.memory_space<semaphore_mem>>
        %dma_start3A_74 = arith.constant 0 : i32
        %dma_start3A_75 = arith.constant 0 : i32
        %dma_start3A_76 = tpu.memref_slice %arg9[%dma_start3A_74, %dma_start3A_75] : memref<10112x128xf32, #tpu.memory_space<vmem_shared>> -> memref<10112x128xf32, #tpu.memory_space<vmem_shared>>
        tpu.enqueue_indirect_dma source(%arg8 : memref<128x128xf32, #tpu.memory_space<vmem>>) target(%dma_start3A_76 : memref<10112x128xf32, #tpu.memory_space<vmem_shared>>) offsets(%arg6 : memref<128xi32, #tpu.memory_space<vmem>>) semaphore(%run_scoped3A : memref<!tpu.dma_semaphore, #tpu.memory_space<semaphore_mem>>) {add = true}
        %dma_wait3A_77 = arith.constant 0 : i32
        %dma_wait3A_78 = arith.constant 0 : i32
        %dma_wait3A_79 = tpu.memref_slice %arg9[%dma_wait3A_77, %dma_wait3A_78] : memref<10112x128xf32, #tpu.memory_space<vmem_shared>> -> memref<10112x128xf32, #tpu.memory_space<vmem_shared>>
        tpu.wait_indirect_dma semaphore(%run_scoped3A : memref<!tpu.dma_semaphore, #tpu.memory_space<semaphore_mem>>) src(%arg8 : memref<128x128xf32, #tpu.memory_space<vmem>>) dst(%dma_wait3A_79 : memref<10112x128xf32, #tpu.memory_space<vmem_shared>>)
        tpu.yield
      }) : () -> ()
      %add3A_47 = arith.constant 0 : i32
      %add3A_48 = arith.addi %mul3A_39, %add3A_47 : i32
      %add3A_49 = arith.constant 2 : i32
      %add3A_50 = arith.addi %add3A_48, %add3A_49 : i32
      %add3A_51 = arith.addi %mul3A_4, %add3A_50 : i32
      %mul3A_52 = arith.constant 128 : i32
      %mul3A_53 = arith.muli %add3A_51, %mul3A_52 : i32
      %multiple_of3A_54 = tpu.assume_multiple %mul3A_53, 128 : i32
      %dma_start3A_55 = tpu.memref_slice %arg2[%multiple_of3A_54] : memref<328192xi32, #tpu.memory_space<hbm>> -> memref<128xi32, #tpu.memory_space<hbm>>
      %dma_start3A_56 = tpu.memref_slice %arg2[%multiple_of3A_54] : memref<328192xi32, #tpu.memory_space<hbm>> -> memref<128xi32, #tpu.memory_space<hbm>>
      tpu.enqueue_dma source(%dma_start3A_56 : memref<128xi32, #tpu.memory_space<hbm>>) target(%arg6 : memref<128xi32, #tpu.memory_space<vmem>>) target_semaphore(%arg10 : memref<!tpu.dma_semaphore, #tpu.memory_space<semaphore_mem>>)
      %add3A_57 = arith.constant 0 : i32
      %add3A_58 = arith.addi %mul3A_4, %add3A_57 : i32
      %mul3A_59 = arith.constant 128 : i32
      %mul3A_60 = arith.muli %add3A_58, %mul3A_59 : i32
      %multiple_of3A_61 = tpu.assume_multiple %mul3A_60, 128 : i32
      %dma_wait3A_62 = tpu.memref_slice %arg2[%multiple_of3A_61] : memref<328192xi32, #tpu.memory_space<hbm>> -> memref<128xi32, #tpu.memory_space<hbm>>
      %dma_wait3A_63 = tpu.memref_slice %arg2[%multiple_of3A_61] : memref<328192xi32, #tpu.memory_space<hbm>> -> memref<128xi32, #tpu.memory_space<hbm>>
      tpu.wait_dma2 semaphore(%arg11 : memref<!tpu.dma_semaphore, #tpu.memory_space<semaphore_mem>>) src(%dma_wait3A_63 : memref<128xi32, #tpu.memory_space<hbm>>) dst(%arg7 : memref<128xi32, #tpu.memory_space<vmem>>)
      "tpu.region"() ({
        %run_scoped3A = tpu.sem_alloc : memref<!tpu.dma_semaphore, #tpu.memory_space<semaphore_mem>>
        %dma_start3A_74 = arith.constant 0 : i32
        %dma_start3A_75 = arith.constant 0 : i32
        %dma_start3A_76 = tpu.memref_slice %arg9[%dma_start3A_74, %dma_start3A_75] : memref<10112x128xf32, #tpu.memory_space<vmem_shared>> -> memref<10112x128xf32, #tpu.memory_space<vmem_shared>>
        tpu.enqueue_indirect_dma source(%arg8 : memref<128x128xf32, #tpu.memory_space<vmem>>) target(%dma_start3A_76 : memref<10112x128xf32, #tpu.memory_space<vmem_shared>>) offsets(%arg7 : memref<128xi32, #tpu.memory_space<vmem>>) semaphore(%run_scoped3A : memref<!tpu.dma_semaphore, #tpu.memory_space<semaphore_mem>>) {add = true}
        %dma_wait3A_77 = arith.constant 0 : i32
        %dma_wait3A_78 = arith.constant 0 : i32
        %dma_wait3A_79 = tpu.memref_slice %arg9[%dma_wait3A_77, %dma_wait3A_78] : memref<10112x128xf32, #tpu.memory_space<vmem_shared>> -> memref<10112x128xf32, #tpu.memory_space<vmem_shared>>
        tpu.wait_indirect_dma semaphore(%run_scoped3A : memref<!tpu.dma_semaphore, #tpu.memory_space<semaphore_mem>>) src(%arg8 : memref<128x128xf32, #tpu.memory_space<vmem>>) dst(%dma_wait3A_79 : memref<10112x128xf32, #tpu.memory_space<vmem_shared>>)
        tpu.yield
      }) : () -> ()
      %add3A_64 = arith.constant 1 : i32
      %add3A_65 = arith.addi %mul3A_39, %add3A_64 : i32
      %add3A_66 = arith.constant 2 : i32
      %add3A_67 = arith.addi %add3A_65, %add3A_66 : i32
      %add3A_68 = arith.addi %mul3A_4, %add3A_67 : i32
      %mul3A_69 = arith.constant 128 : i32
      %mul3A_70 = arith.muli %add3A_68, %mul3A_69 : i32
      %multiple_of3A_71 = tpu.assume_multiple %mul3A_70, 128 : i32
      %dma_start3A_72 = tpu.memref_slice %arg2[%multiple_of3A_71] : memref<328192xi32, #tpu.memory_space<hbm>> -> memref<128xi32, #tpu.memory_space<hbm>>
      %dma_start3A_73 = tpu.memref_slice %arg2[%multiple_of3A_71] : memref<328192xi32, #tpu.memory_space<hbm>> -> memref<128xi32, #tpu.memory_space<hbm>>
      tpu.enqueue_dma source(%dma_start3A_73 : memref<128xi32, #tpu.memory_space<hbm>>) target(%arg7 : memref<128xi32, #tpu.memory_space<vmem>>) target_semaphore(%arg11 : memref<!tpu.dma_semaphore, #tpu.memory_space<semaphore_mem>>)
    }
    %scan3A_22 = arith.constant 40 : i32
    %add3A_23 = arith.constant 0 : i32
    %add3A_24 = arith.addi %mul3A_4, %add3A_23 : i32
    %mul3A_25 = arith.constant 128 : i32
    %mul3A_26 = arith.muli %add3A_24, %mul3A_25 : i32
    %multiple_of3A_27 = tpu.assume_multiple %mul3A_26, 128 : i32
    %dma_wait3A = tpu.memref_slice %arg2[%multiple_of3A_27] : memref<328192xi32, #tpu.memory_space<hbm>> -> memref<128xi32, #tpu.memory_space<hbm>>
    %dma_wait3A_28 = tpu.memref_slice %arg2[%multiple_of3A_27] : memref<328192xi32, #tpu.memory_space<hbm>> -> memref<128xi32, #tpu.memory_space<hbm>>
    tpu.wait_dma2 semaphore(%arg10 : memref<!tpu.dma_semaphore, #tpu.memory_space<semaphore_mem>>) src(%dma_wait3A_28 : memref<128xi32, #tpu.memory_space<hbm>>) dst(%arg6 : memref<128xi32, #tpu.memory_space<vmem>>)
    %add3A_29 = arith.constant 0 : i32
    %add3A_30 = arith.addi %mul3A_4, %add3A_29 : i32
    %mul3A_31 = arith.constant 128 : i32
    %mul3A_32 = arith.muli %add3A_30, %mul3A_31 : i32
    %multiple_of3A_33 = tpu.assume_multiple %mul3A_32, 128 : i32
    %dma_wait3A_34 = tpu.memref_slice %arg2[%multiple_of3A_33] : memref<328192xi32, #tpu.memory_space<hbm>> -> memref<128xi32, #tpu.memory_space<hbm>>
    %dma_wait3A_35 = tpu.memref_slice %arg2[%multiple_of3A_33] : memref<328192xi32, #tpu.memory_space<hbm>> -> memref<128xi32, #tpu.memory_space<hbm>>
    tpu.wait_dma2 semaphore(%arg11 : memref<!tpu.dma_semaphore, #tpu.memory_space<semaphore_mem>>) src(%dma_wait3A_35 : memref<128xi32, #tpu.memory_space<hbm>>) dst(%arg7 : memref<128xi32, #tpu.memory_space<vmem>>)
    %barrier3A_36 = arith.constant 0 : index
    tpu.barrier barrier_id(%barrier3A_36)
    "tpu.region"() ({
      %run_scoped3A = tpu.sem_alloc : memref<!tpu.dma_semaphore, #tpu.memory_space<semaphore_mem>>
      %dma_start3A_37 = arith.constant 0 : i32
      %dma_start3A_38 = tpu.memref_slice %arg5[%arg0, %multiple_of3A, %dma_start3A_37] : memref<2x10112x128xf32, #tpu.memory_space<hbm>> -> memref<1x632x128xf32, #tpu.memory_space<hbm>>
      %dma_start3A_39 = tpu.memref_squeeze %dma_start3A_38 : memref<1x632x128xf32, #tpu.memory_space<hbm>> -> memref<632x128xf32, #tpu.memory_space<hbm>>
      %dma_start3A_40 = arith.constant 0 : i32
      %dma_start3A_41 = tpu.memref_slice %arg9[%multiple_of3A, %dma_start3A_40] : memref<10112x128xf32, #tpu.memory_space<vmem_shared>> -> memref<632x128xf32, #tpu.memory_space<vmem_shared>>
      tpu.enqueue_dma source(%dma_start3A_41 : memref<632x128xf32, #tpu.memory_space<vmem_shared>>) target(%dma_start3A_39 : memref<632x128xf32, #tpu.memory_space<hbm>>) target_semaphore(%run_scoped3A : memref<!tpu.dma_semaphore, #tpu.memory_space<semaphore_mem>>)
      %dma_wait3A_42 = arith.constant 0 : i32
      %dma_wait3A_43 = tpu.memref_slice %arg5[%arg0, %multiple_of3A, %dma_wait3A_42] : memref<2x10112x128xf32, #tpu.memory_space<hbm>> -> memref<1x632x128xf32, #tpu.memory_space<hbm>>
      %dma_wait3A_44 = tpu.memref_squeeze %dma_wait3A_43 : memref<1x632x128xf32, #tpu.memory_space<hbm>> -> memref<632x128xf32, #tpu.memory_space<hbm>>
      %dma_wait3A_45 = arith.constant 0 : i32
      %dma_wait3A_46 = tpu.memref_slice %arg9[%multiple_of3A, %dma_wait3A_45] : memref<10112x128xf32, #tpu.memory_space<vmem_shared>> -> memref<632x128xf32, #tpu.memory_space<vmem_shared>>
      tpu.wait_dma2 semaphore(%run_scoped3A : memref<!tpu.dma_semaphore, #tpu.memory_space<semaphore_mem>>) src(%dma_wait3A_46 : memref<632x128xf32, #tpu.memory_space<vmem_shared>>) dst(%dma_wait3A_44 : memref<632x128xf32, #tpu.memory_space<hbm>>)
      tpu.yield
    }) : () -> ()
    return
  }
}

#map = affine_map<(d0, d1) -> (0, 0)>
#map1 = affine_map<(d0, d1) -> (0)>
#map2 = affine_map<(d0, d1) -> (0, 0, 0)>
module attributes {stable_mosaic.version = 14 : i64} {
  func.func @body(%arg0: i32, %arg1: i32, %arg2: memref<10000x128xf32, #tpu.memory_space<hbm>>, %arg3: memref<328192xi32, #tpu.memory_space<hbm>>, %arg4: memref<328192xi32, #tpu.memory_space<hbm>>, %arg5: memref<632x128xf32, #tpu.memory_space<hbm>>, %arg6: memref<2x10112x128xf32, #tpu.memory_space<hbm>>, %arg7: memref<128xi32, #tpu.memory_space<vmem>>, %arg8: memref<128xi32, #tpu.memory_space<vmem>>, %arg9: memref<128x128xf32, #tpu.memory_space<vmem>>, %arg10: memref<10112x128xf32, #tpu.memory_space<vmem_shared>>, %arg11: memref<!tpu.dma_semaphore, #tpu.memory_space<semaphore_mem>>) attributes {dimension_semantics = [#tpu.dimension_semantics<core_parallel>, #tpu.dimension_semantics<subcore_parallel>], iteration_bounds = array<i64: 2, 16>, scalar_prefetch = 0 : i64, scratch_operands = 5 : i64, tpu.core_type = #tpu.core_type<sc_vector_subcore>, window_params = [{transform_indices = #map}, {transform_indices = #map1}, {transform_indices = #map1}, {transform_indices = #map}, {transform_indices = #map2}]} {
    %mul3A = arith.constant 2 : i32
    %mul3A_0 = arith.muli %arg1, %mul3A : i32
    %add3A = arith.addi %mul3A_0, %arg0 : i32
    %mul3A_1 = arith.constant 632 : i32
    %mul3A_2 = arith.muli %arg1, %mul3A_1 : i32
    %multiple_of3A = tpu.assume_multiple %mul3A_2, 8 : i32
    "tpu.region"() ({
      %run_scoped3A = tpu.sem_alloc : memref<!tpu.dma_semaphore, #tpu.memory_space<semaphore_mem>>
      %dma_start3A = arith.constant 0 : i32
      %dma_start3A_11 = tpu.memref_slice %arg10[%multiple_of3A, %dma_start3A] : memref<10112x128xf32, #tpu.memory_space<vmem_shared>> -> memref<632x128xf32, #tpu.memory_space<vmem_shared>>
      tpu.enqueue_dma source(%arg5 : memref<632x128xf32, #tpu.memory_space<hbm>>) target(%dma_start3A_11 : memref<632x128xf32, #tpu.memory_space<vmem_shared>>) target_semaphore(%run_scoped3A : memref<!tpu.dma_semaphore, #tpu.memory_space<semaphore_mem>>)
      %dma_wait3A = arith.constant 0 : i32
      %dma_wait3A_12 = tpu.memref_slice %arg10[%multiple_of3A, %dma_wait3A] : memref<10112x128xf32, #tpu.memory_space<vmem_shared>> -> memref<632x128xf32, #tpu.memory_space<vmem_shared>>
      tpu.wait_dma2 semaphore(%run_scoped3A : memref<!tpu.dma_semaphore, #tpu.memory_space<semaphore_mem>>) src(%arg5 : memref<632x128xf32, #tpu.memory_space<hbm>>) dst(%dma_wait3A_12 : memref<632x128xf32, #tpu.memory_space<vmem_shared>>)
      tpu.yield
    }) : () -> ()
    %barrier3A = arith.constant 0 : index
    tpu.barrier barrier_id(%barrier3A)
    %mul3A_3 = arith.constant 80 : i32
    %mul3A_4 = arith.muli %add3A, %mul3A_3 : i32
    %scan3A = arith.constant 0 : i32
    %scan3A_5 = arith.constant 0 : i32
    %scan3A_6 = arith.constant 80 : i32
    %scan3A_7 = arith.addi %scan3A_5, %scan3A_6 : i32
    %scan3A_8 = arith.constant 1 : i32
    scf.for %scan3A_11 = %scan3A_5 to %scan3A_7 step %scan3A_8  : i32 {
      %add3A_12 = arith.addi %mul3A_4, %scan3A_11 : i32
      %mul3A_13 = arith.constant 128 : i32
      %mul3A_14 = arith.muli %add3A_12, %mul3A_13 : i32
      %multiple_of3A_15 = tpu.assume_multiple %mul3A_14, 128 : i32
      "tpu.region"() ({
        %run_scoped3A = tpu.sem_alloc : memref<!tpu.dma_semaphore, #tpu.memory_space<semaphore_mem>>
        %dma_start3A_20 = tpu.memref_slice %arg3[%multiple_of3A_15] : memref<328192xi32, #tpu.memory_space<hbm>> -> memref<128xi32, #tpu.memory_space<hbm>>
        %dma_start3A_21 = tpu.memref_slice %arg3[%multiple_of3A_15] : memref<328192xi32, #tpu.memory_space<hbm>> -> memref<128xi32, #tpu.memory_space<hbm>>
        tpu.enqueue_dma source(%dma_start3A_21 : memref<128xi32, #tpu.memory_space<hbm>>) target(%arg7 : memref<128xi32, #tpu.memory_space<vmem>>) target_semaphore(%run_scoped3A : memref<!tpu.dma_semaphore, #tpu.memory_space<semaphore_mem>>)
        %dma_wait3A_22 = tpu.memref_slice %arg3[%multiple_of3A_15] : memref<328192xi32, #tpu.memory_space<hbm>> -> memref<128xi32, #tpu.memory_space<hbm>>
        %dma_wait3A_23 = tpu.memref_slice %arg3[%multiple_of3A_15] : memref<328192xi32, #tpu.memory_space<hbm>> -> memref<128xi32, #tpu.memory_space<hbm>>
        tpu.wait_dma2 semaphore(%run_scoped3A : memref<!tpu.dma_semaphore, #tpu.memory_space<semaphore_mem>>) src(%dma_wait3A_23 : memref<128xi32, #tpu.memory_space<hbm>>) dst(%arg7 : memref<128xi32, #tpu.memory_space<vmem>>)
        tpu.yield
      }) : () -> ()
      "tpu.region"() ({
        %run_scoped3A = tpu.sem_alloc : memref<!tpu.dma_semaphore, #tpu.memory_space<semaphore_mem>>
        %dma_start3A_20 = tpu.memref_slice %arg4[%multiple_of3A_15] : memref<328192xi32, #tpu.memory_space<hbm>> -> memref<128xi32, #tpu.memory_space<hbm>>
        %dma_start3A_21 = tpu.memref_slice %arg4[%multiple_of3A_15] : memref<328192xi32, #tpu.memory_space<hbm>> -> memref<128xi32, #tpu.memory_space<hbm>>
        tpu.enqueue_dma source(%dma_start3A_21 : memref<128xi32, #tpu.memory_space<hbm>>) target(%arg8 : memref<128xi32, #tpu.memory_space<vmem>>) target_semaphore(%run_scoped3A : memref<!tpu.dma_semaphore, #tpu.memory_space<semaphore_mem>>)
        %dma_wait3A_22 = tpu.memref_slice %arg4[%multiple_of3A_15] : memref<328192xi32, #tpu.memory_space<hbm>> -> memref<128xi32, #tpu.memory_space<hbm>>
        %dma_wait3A_23 = tpu.memref_slice %arg4[%multiple_of3A_15] : memref<328192xi32, #tpu.memory_space<hbm>> -> memref<128xi32, #tpu.memory_space<hbm>>
        tpu.wait_dma2 semaphore(%run_scoped3A : memref<!tpu.dma_semaphore, #tpu.memory_space<semaphore_mem>>) src(%dma_wait3A_23 : memref<128xi32, #tpu.memory_space<hbm>>) dst(%arg8 : memref<128xi32, #tpu.memory_space<vmem>>)
        tpu.yield
      }) : () -> ()
      %dma_start3A = arith.constant 0 : i32
      %dma_start3A_16 = arith.constant 0 : i32
      %dma_start3A_17 = tpu.memref_slice %arg2[%dma_start3A, %dma_start3A_16] : memref<10000x128xf32, #tpu.memory_space<hbm>> -> memref<10000x128xf32, #tpu.memory_space<hbm>>
      tpu.enqueue_indirect_dma source(%dma_start3A_17 : memref<10000x128xf32, #tpu.memory_space<hbm>>) target(%arg9 : memref<128x128xf32, #tpu.memory_space<vmem>>) offsets(%arg7 : memref<128xi32, #tpu.memory_space<vmem>>) semaphore(%arg11 : memref<!tpu.dma_semaphore, #tpu.memory_space<semaphore_mem>>)
      %dma_wait3A = arith.constant 0 : i32
      %dma_wait3A_18 = arith.constant 0 : i32
      %dma_wait3A_19 = tpu.memref_slice %arg2[%dma_wait3A, %dma_wait3A_18] : memref<10000x128xf32, #tpu.memory_space<hbm>> -> memref<10000x128xf32, #tpu.memory_space<hbm>>
      tpu.wait_indirect_dma semaphore(%arg11 : memref<!tpu.dma_semaphore, #tpu.memory_space<semaphore_mem>>) src(%dma_wait3A_19 : memref<10000x128xf32, #tpu.memory_space<hbm>>) dst(%arg9 : memref<128x128xf32, #tpu.memory_space<vmem>>)
      "tpu.region"() ({
        %run_scoped3A = tpu.sem_alloc : memref<!tpu.dma_semaphore, #tpu.memory_space<semaphore_mem>>
        %dma_start3A_20 = arith.constant 0 : i32
        %dma_start3A_21 = arith.constant 0 : i32
        %dma_start3A_22 = tpu.memref_slice %arg10[%dma_start3A_20, %dma_start3A_21] : memref<10112x128xf32, #tpu.memory_space<vmem_shared>> -> memref<10112x128xf32, #tpu.memory_space<vmem_shared>>
        tpu.enqueue_indirect_dma source(%arg9 : memref<128x128xf32, #tpu.memory_space<vmem>>) target(%dma_start3A_22 : memref<10112x128xf32, #tpu.memory_space<vmem_shared>>) offsets(%arg8 : memref<128xi32, #tpu.memory_space<vmem>>) semaphore(%run_scoped3A : memref<!tpu.dma_semaphore, #tpu.memory_space<semaphore_mem>>) {add = true}
        %dma_wait3A_23 = arith.constant 0 : i32
        %dma_wait3A_24 = arith.constant 0 : i32
        %dma_wait3A_25 = tpu.memref_slice %arg10[%dma_wait3A_23, %dma_wait3A_24] : memref<10112x128xf32, #tpu.memory_space<vmem_shared>> -> memref<10112x128xf32, #tpu.memory_space<vmem_shared>>
        tpu.wait_indirect_dma semaphore(%run_scoped3A : memref<!tpu.dma_semaphore, #tpu.memory_space<semaphore_mem>>) src(%arg9 : memref<128x128xf32, #tpu.memory_space<vmem>>) dst(%dma_wait3A_25 : memref<10112x128xf32, #tpu.memory_space<vmem_shared>>)
        tpu.yield
      }) : () -> ()
    }
    %scan3A_9 = arith.constant 80 : i32
    %barrier3A_10 = arith.constant 0 : index
    tpu.barrier barrier_id(%barrier3A_10)
    "tpu.region"() ({
      %run_scoped3A = tpu.sem_alloc : memref<!tpu.dma_semaphore, #tpu.memory_space<semaphore_mem>>
      %dma_start3A = arith.constant 0 : i32
      %dma_start3A_11 = tpu.memref_slice %arg6[%arg0, %multiple_of3A, %dma_start3A] : memref<2x10112x128xf32, #tpu.memory_space<hbm>> -> memref<1x632x128xf32, #tpu.memory_space<hbm>>
      %dma_start3A_12 = tpu.memref_squeeze %dma_start3A_11 : memref<1x632x128xf32, #tpu.memory_space<hbm>> -> memref<632x128xf32, #tpu.memory_space<hbm>>
      %dma_start3A_13 = arith.constant 0 : i32
      %dma_start3A_14 = tpu.memref_slice %arg10[%multiple_of3A, %dma_start3A_13] : memref<10112x128xf32, #tpu.memory_space<vmem_shared>> -> memref<632x128xf32, #tpu.memory_space<vmem_shared>>
      tpu.enqueue_dma source(%dma_start3A_14 : memref<632x128xf32, #tpu.memory_space<vmem_shared>>) target(%dma_start3A_12 : memref<632x128xf32, #tpu.memory_space<hbm>>) target_semaphore(%run_scoped3A : memref<!tpu.dma_semaphore, #tpu.memory_space<semaphore_mem>>)
      %dma_wait3A = arith.constant 0 : i32
      %dma_wait3A_15 = tpu.memref_slice %arg6[%arg0, %multiple_of3A, %dma_wait3A] : memref<2x10112x128xf32, #tpu.memory_space<hbm>> -> memref<1x632x128xf32, #tpu.memory_space<hbm>>
      %dma_wait3A_16 = tpu.memref_squeeze %dma_wait3A_15 : memref<1x632x128xf32, #tpu.memory_space<hbm>> -> memref<632x128xf32, #tpu.memory_space<hbm>>
      %dma_wait3A_17 = arith.constant 0 : i32
      %dma_wait3A_18 = tpu.memref_slice %arg10[%multiple_of3A, %dma_wait3A_17] : memref<10112x128xf32, #tpu.memory_space<vmem_shared>> -> memref<632x128xf32, #tpu.memory_space<vmem_shared>>
      tpu.wait_dma2 semaphore(%run_scoped3A : memref<!tpu.dma_semaphore, #tpu.memory_space<semaphore_mem>>) src(%dma_wait3A_18 : memref<632x128xf32, #tpu.memory_space<vmem_shared>>) dst(%dma_wait3A_16 : memref<632x128xf32, #tpu.memory_space<hbm>>)
      tpu.yield
    }) : () -> ()
    return
  }
}

module attributes {stable_mosaic.version = 14 : i64} {
  func.func @_layer_body(%arg0: i32, %arg1: memref<1000x128xf32, #tpu.memory_space<vmem>>, %arg2: memref<2x1000x128xf32, #tpu.memory_space<vmem>>, %arg3: memref<2x1000x128xf32, #tpu.memory_space<vmem>>, %arg4: memref<128x128xf32, #tpu.memory_space<vmem>>, %arg5: memref<128x128xf32, #tpu.memory_space<vmem>>, %arg6: memref<1x128xf32, #tpu.memory_space<vmem>>, %arg7: memref<1000x128xf32, #tpu.memory_space<vmem>>) attributes {dimension_semantics = [#tpu.dimension_semantics<arbitrary>], iteration_bounds = array<i64: 10>, scalar_prefetch = 0 : i64, scratch_operands = 0 : i64, tpu.core_type = #tpu.core_type<tc>, window_params = [{transform_indices = @transform_0, window_bounds = array<i64: 1000, 128>}, {transform_indices = @transform_1, window_bounds = array<i64: 2, 1000, 128>}, {transform_indices = @transform_2, window_bounds = array<i64: 2, 1000, 128>}, {pipeline_mode = #tpu.pipeline_mode<synchronous>, transform_indices = @transform_3, window_bounds = array<i64: 128, 128>}, {pipeline_mode = #tpu.pipeline_mode<synchronous>, transform_indices = @transform_4, window_bounds = array<i64: 128, 128>}, {pipeline_mode = #tpu.pipeline_mode<synchronous>, transform_indices = @transform_5, window_bounds = array<i64: 1, 128>}, {transform_indices = @transform_6, window_bounds = array<i64: 1000, 128>}]} {
    %get3A = arith.constant 0 : index
    %get3A_0 = arith.constant 0 : index
    %get3A_1 = arith.constant 0 : index
    %get3A_2 = vector.load %arg2[%get3A, %get3A_0, %get3A_1] : memref<2x1000x128xf32, #tpu.memory_space<vmem>>, vector<2x1000x128xf32>
    %get3A_3 = arith.constant 0 : index
    %get3A_4 = arith.constant 0 : index
    %get3A_5 = arith.constant 0 : index
    %get3A_6 = vector.load %arg3[%get3A_3, %get3A_4, %get3A_5] : memref<2x1000x128xf32, #tpu.memory_space<vmem>>, vector<2x1000x128xf32>
    %slice3A = vector.extract_strided_slice %get3A_6 {offsets = [0, 0, 0], sizes = [1, 1000, 128], strides = [1, 1, 1]} : vector<2x1000x128xf32> to vector<1x1000x128xf32>
    %squeeze3A = vector.shape_cast %slice3A : vector<1x1000x128xf32> to vector<1000x128xf32>
    %slice3A_7 = vector.extract_strided_slice %squeeze3A {offsets = [0, 0], sizes = [1000, 1], strides = [1, 1]} : vector<1000x128xf32> to vector<1000x1xf32>
    %slice3A_8 = vector.extract_strided_slice %get3A_6 {offsets = [1, 0, 0], sizes = [1, 1000, 128], strides = [1, 1, 1]} : vector<2x1000x128xf32> to vector<1x1000x128xf32>
    %squeeze3A_9 = vector.shape_cast %slice3A_8 : vector<1x1000x128xf32> to vector<1000x128xf32>
    %slice3A_10 = vector.extract_strided_slice %squeeze3A_9 {offsets = [0, 0], sizes = [1000, 1], strides = [1, 1]} : vector<1000x128xf32> to vector<1000x1xf32>
    %add3A = arith.addf %slice3A_7, %slice3A_10 : vector<1000x1xf32>
    %slice3A_11 = vector.extract_strided_slice %get3A_2 {offsets = [0, 0, 0], sizes = [1, 1000, 128], strides = [1, 1, 1]} : vector<2x1000x128xf32> to vector<1x1000x128xf32>
    %squeeze3A_12 = vector.shape_cast %slice3A_11 : vector<1x1000x128xf32> to vector<1000x128xf32>
    %slice3A_13 = vector.extract_strided_slice %get3A_2 {offsets = [1, 0, 0], sizes = [1, 1000, 128], strides = [1, 1, 1]} : vector<2x1000x128xf32> to vector<1x1000x128xf32>
    %squeeze3A_14 = vector.shape_cast %slice3A_13 : vector<1x1000x128xf32> to vector<1000x128xf32>
    %add3A_15 = arith.addf %squeeze3A_12, %squeeze3A_14 : vector<1000x128xf32>
    %max3A = arith.constant 1.000000e+00 : f32
    %max3A_16 = vector.broadcast %max3A : f32 to vector<1000x1xf32>
    %max3A_17 = arith.maximumf %add3A, %max3A_16 : vector<1000x1xf32>
    %div3A = vector.broadcast %max3A_17 : vector<1000x1xf32> to vector<1000x128xf32>
    %div3A_18 = arith.divf %add3A_15, %div3A : vector<1000x128xf32>
    %get3A_19 = arith.constant 0 : index
    %get3A_20 = arith.constant 0 : index
    %get3A_21 = vector.load %arg1[%get3A_19, %get3A_20] : memref<1000x128xf32, #tpu.memory_space<vmem>>, vector<1000x128xf32>
    %get3A_22 = arith.constant 0 : index
    %get3A_23 = arith.constant 0 : index
    %get3A_24 = vector.load %arg4[%get3A_22, %get3A_23] : memref<128x128xf32, #tpu.memory_space<vmem>>, vector<128x128xf32>
    %dot_general3A = arith.constant dense<0.000000e+00> : vector<1000x128xf32>
    %dot_general3A_25 = tpu.matmul %get3A_21, %get3A_24, %dot_general3A {dimension_numbers = #tpu.dot_dimension_numbers<[1], [0], [0], [1], [0, 0, 1, 1], [], []>, transpose_lhs_hint = false} : vector<1000x128xf32>, vector<128x128xf32>, vector<1000x128xf32> -> vector<1000x128xf32>
    %get3A_26 = arith.constant 0 : index
    %get3A_27 = arith.constant 0 : index
    %get3A_28 = vector.load %arg5[%get3A_26, %get3A_27] : memref<128x128xf32, #tpu.memory_space<vmem>>, vector<128x128xf32>
    %dot_general3A_29 = arith.constant dense<0.000000e+00> : vector<1000x128xf32>
    %dot_general3A_30 = tpu.matmul %div3A_18, %get3A_28, %dot_general3A_29 {dimension_numbers = #tpu.dot_dimension_numbers<[1], [0], [0], [1], [0, 0, 1, 1], [], []>, transpose_lhs_hint = false} : vector<1000x128xf32>, vector<128x128xf32>, vector<1000x128xf32> -> vector<1000x128xf32>
    %add3A_31 = arith.addf %dot_general3A_25, %dot_general3A_30 : vector<1000x128xf32>
    %get3A_32 = arith.constant 0 : index
    %get3A_33 = arith.constant 0 : index
    %get3A_34 = vector.load %arg6[%get3A_32, %get3A_33] : memref<1x128xf32, #tpu.memory_space<vmem>>, vector<1x128xf32>
    %add3A_35 = vector.broadcast %get3A_34 : vector<1x128xf32> to vector<1000x128xf32>
    %add3A_36 = arith.addf %add3A_31, %add3A_35 : vector<1000x128xf32>
    %max3A_37 = arith.constant 0.000000e+00 : f32
    %max3A_38 = vector.broadcast %max3A_37 : f32 to vector<1000x128xf32>
    %max3A_39 = arith.maximumf %add3A_36, %max3A_38 : vector<1000x128xf32>
    %swap3A = arith.constant 0 : index
    %swap3A_40 = arith.constant 0 : index
    %swap3A_41 = vector.load %arg7[%swap3A, %swap3A_40] : memref<1000x128xf32, #tpu.memory_space<vmem>>, vector<1000x128xf32>
    tpu.vector_store %arg7[%swap3A, %swap3A_40], %max3A_39 {strides = array<i32>} : memref<1000x128xf32, #tpu.memory_space<vmem>>, vector<1000x128xf32>,
    return
  }
  func.func @transform_0(%arg0: i32) -> (i32, i32) {
    %c0_i32 = arith.constant 0 : i32
    %c0_i32_0 = arith.constant 0 : i32
    return %arg0, %c0_i32 : i32, i32
  }
  func.func @transform_1(%arg0: i32) -> (i32, i32, i32) {
    %c0_i32 = arith.constant 0 : i32
    %c0_i32_0 = arith.constant 0 : i32
    %c0_i32_1 = arith.constant 0 : i32
    return %c0_i32, %arg0, %c0_i32_0 : i32, i32, i32
  }
  func.func @transform_2(%arg0: i32) -> (i32, i32, i32) {
    %c0_i32 = arith.constant 0 : i32
    %c0_i32_0 = arith.constant 0 : i32
    %c0_i32_1 = arith.constant 0 : i32
    return %c0_i32, %arg0, %c0_i32_0 : i32, i32, i32
  }
  func.func @transform_3(%arg0: i32) -> (i32, i32) {
    %c0_i32 = arith.constant 0 : i32
    %c0_i32_0 = arith.constant 0 : i32
    %c0_i32_1 = arith.constant 0 : i32
    return %c0_i32, %c0_i32_0 : i32, i32
  }
  func.func @transform_4(%arg0: i32) -> (i32, i32) {
    %c0_i32 = arith.constant 0 : i32
    %c0_i32_0 = arith.constant 0 : i32
    %c0_i32_1 = arith.constant 0 : i32
    return %c0_i32, %c0_i32_0 : i32, i32
  }
  func.func @transform_5(%arg0: i32) -> (i32, i32) {
    %c0_i32 = arith.constant 0 : i32
    %c0_i32_0 = arith.constant 0 : i32
    %c0_i32_1 = arith.constant 0 : i32
    return %c0_i32, %c0_i32_0 : i32, i32
  }
  func.func @transform_6(%arg0: i32) -> (i32, i32) {
    %c0_i32 = arith.constant 0 : i32
    %c0_i32_0 = arith.constant 0 : i32
    return %arg0, %c0_i32 : i32, i32
  }
}

module attributes {stable_mosaic.version = 14 : i64} {
  func.func @_final_body(%arg0: i32, %arg1: memref<1000x128xf32, #tpu.memory_space<vmem>>, %arg2: memref<2x1000x128xf32, #tpu.memory_space<vmem>>, %arg3: memref<2x1000x128xf32, #tpu.memory_space<vmem>>, %arg4: memref<128x128xf32, #tpu.memory_space<vmem>>, %arg5: memref<128x128xf32, #tpu.memory_space<vmem>>, %arg6: memref<1x128xf32, #tpu.memory_space<vmem>>, %arg7: memref<128x64xf32, #tpu.memory_space<vmem>>, %arg8: memref<1x64xf32, #tpu.memory_space<vmem>>, %arg9: memref<1x64xf32, #tpu.memory_space<vmem>>, %arg10: memref<1x128xf32, #tpu.memory_space<vmem>>) attributes {dimension_semantics = [#tpu.dimension_semantics<arbitrary>], iteration_bounds = array<i64: 10>, scalar_prefetch = 0 : i64, scratch_operands = 1 : i64, tpu.core_type = #tpu.core_type<tc>, window_params = [{transform_indices = @transform_0, window_bounds = array<i64: 1000, 128>}, {transform_indices = @transform_1, window_bounds = array<i64: 2, 1000, 128>}, {transform_indices = @transform_2, window_bounds = array<i64: 2, 1000, 128>}, {pipeline_mode = #tpu.pipeline_mode<synchronous>, transform_indices = @transform_3, window_bounds = array<i64: 128, 128>}, {pipeline_mode = #tpu.pipeline_mode<synchronous>, transform_indices = @transform_4, window_bounds = array<i64: 128, 128>}, {pipeline_mode = #tpu.pipeline_mode<synchronous>, transform_indices = @transform_5, window_bounds = array<i64: 1, 128>}, {pipeline_mode = #tpu.pipeline_mode<synchronous>, transform_indices = @transform_6, window_bounds = array<i64: 128, 64>}, {pipeline_mode = #tpu.pipeline_mode<synchronous>, transform_indices = @transform_7, window_bounds = array<i64: 1, 64>}, {pipeline_mode = #tpu.pipeline_mode<synchronous>, transform_indices = @transform_8, window_bounds = array<i64: 1, 64>}]} {
    %get3A = arith.constant 0 : index
    %get3A_0 = arith.constant 0 : index
    %get3A_1 = arith.constant 0 : index
    %get3A_2 = vector.load %arg2[%get3A, %get3A_0, %get3A_1] : memref<2x1000x128xf32, #tpu.memory_space<vmem>>, vector<2x1000x128xf32>
    %get3A_3 = arith.constant 0 : index
    %get3A_4 = arith.constant 0 : index
    %get3A_5 = arith.constant 0 : index
    %get3A_6 = vector.load %arg3[%get3A_3, %get3A_4, %get3A_5] : memref<2x1000x128xf32, #tpu.memory_space<vmem>>, vector<2x1000x128xf32>
    %slice3A = vector.extract_strided_slice %get3A_6 {offsets = [0, 0, 0], sizes = [1, 1000, 128], strides = [1, 1, 1]} : vector<2x1000x128xf32> to vector<1x1000x128xf32>
    %squeeze3A = vector.shape_cast %slice3A : vector<1x1000x128xf32> to vector<1000x128xf32>
    %slice3A_7 = vector.extract_strided_slice %squeeze3A {offsets = [0, 0], sizes = [1000, 1], strides = [1, 1]} : vector<1000x128xf32> to vector<1000x1xf32>
    %slice3A_8 = vector.extract_strided_slice %get3A_6 {offsets = [1, 0, 0], sizes = [1, 1000, 128], strides = [1, 1, 1]} : vector<2x1000x128xf32> to vector<1x1000x128xf32>
    %squeeze3A_9 = vector.shape_cast %slice3A_8 : vector<1x1000x128xf32> to vector<1000x128xf32>
    %slice3A_10 = vector.extract_strided_slice %squeeze3A_9 {offsets = [0, 0], sizes = [1000, 1], strides = [1, 1]} : vector<1000x128xf32> to vector<1000x1xf32>
    %add3A = arith.addf %slice3A_7, %slice3A_10 : vector<1000x1xf32>
    %slice3A_11 = vector.extract_strided_slice %get3A_2 {offsets = [0, 0, 0], sizes = [1, 1000, 128], strides = [1, 1, 1]} : vector<2x1000x128xf32> to vector<1x1000x128xf32>
    %squeeze3A_12 = vector.shape_cast %slice3A_11 : vector<1x1000x128xf32> to vector<1000x128xf32>
    %slice3A_13 = vector.extract_strided_slice %get3A_2 {offsets = [1, 0, 0], sizes = [1, 1000, 128], strides = [1, 1, 1]} : vector<2x1000x128xf32> to vector<1x1000x128xf32>
    %squeeze3A_14 = vector.shape_cast %slice3A_13 : vector<1x1000x128xf32> to vector<1000x128xf32>
    %add3A_15 = arith.addf %squeeze3A_12, %squeeze3A_14 : vector<1000x128xf32>
    %max3A = arith.constant 1.000000e+00 : f32
    %max3A_16 = vector.broadcast %max3A : f32 to vector<1000x1xf32>
    %max3A_17 = arith.maximumf %add3A, %max3A_16 : vector<1000x1xf32>
    %div3A = vector.broadcast %max3A_17 : vector<1000x1xf32> to vector<1000x128xf32>
    %div3A_18 = arith.divf %add3A_15, %div3A : vector<1000x128xf32>
    %get3A_19 = arith.constant 0 : index
    %get3A_20 = arith.constant 0 : index
    %get3A_21 = vector.load %arg1[%get3A_19, %get3A_20] : memref<1000x128xf32, #tpu.memory_space<vmem>>, vector<1000x128xf32>
    %get3A_22 = arith.constant 0 : index
    %get3A_23 = arith.constant 0 : index
    %get3A_24 = vector.load %arg4[%get3A_22, %get3A_23] : memref<128x128xf32, #tpu.memory_space<vmem>>, vector<128x128xf32>
    %dot_general3A = arith.constant dense<0.000000e+00> : vector<1000x128xf32>
    %dot_general3A_25 = tpu.matmul %get3A_21, %get3A_24, %dot_general3A {dimension_numbers = #tpu.dot_dimension_numbers<[1], [0], [0], [1], [0, 0, 1, 1], [], []>, transpose_lhs_hint = false} : vector<1000x128xf32>, vector<128x128xf32>, vector<1000x128xf32> -> vector<1000x128xf32>
    %get3A_26 = arith.constant 0 : index
    %get3A_27 = arith.constant 0 : index
    %get3A_28 = vector.load %arg5[%get3A_26, %get3A_27] : memref<128x128xf32, #tpu.memory_space<vmem>>, vector<128x128xf32>
    %dot_general3A_29 = arith.constant dense<0.000000e+00> : vector<1000x128xf32>
    %dot_general3A_30 = tpu.matmul %div3A_18, %get3A_28, %dot_general3A_29 {dimension_numbers = #tpu.dot_dimension_numbers<[1], [0], [0], [1], [0, 0, 1, 1], [], []>, transpose_lhs_hint = false} : vector<1000x128xf32>, vector<128x128xf32>, vector<1000x128xf32> -> vector<1000x128xf32>
    %add3A_31 = arith.addf %dot_general3A_25, %dot_general3A_30 : vector<1000x128xf32>
    %get3A_32 = arith.constant 0 : index
    %get3A_33 = arith.constant 0 : index
    %get3A_34 = vector.load %arg6[%get3A_32, %get3A_33] : memref<1x128xf32, #tpu.memory_space<vmem>>, vector<1x128xf32>
    %add3A_35 = vector.broadcast %get3A_34 : vector<1x128xf32> to vector<1000x128xf32>
    %add3A_36 = arith.addf %add3A_31, %add3A_35 : vector<1000x128xf32>
    %max3A_37 = arith.constant 0.000000e+00 : f32
    %max3A_38 = vector.broadcast %max3A_37 : f32 to vector<1000x128xf32>
    %max3A_39 = arith.maximumf %add3A_36, %max3A_38 : vector<1000x128xf32>
    %reduce_sum3A = arith.constant dense<0.000000e+00> : vector<128xf32>
    %reduce_sum3A_40 = vector.multi_reduction <add>, %max3A_39, %reduce_sum3A [0] : vector<1000x128xf32> to vector<128xf32>
    %broadcast_in_dim3A = vector.shape_cast %reduce_sum3A_40 : vector<128xf32> to vector<1x128xf32>
    %eq3A = arith.constant 0 : i32
    %eq3A_41 = arith.cmpi eq, %arg0, %eq3A : i32
    %convert_element_type3A = arith.extui %eq3A_41 : i1 to i32
    %cond3A = arith.constant 0 : i32
    %cond3A_42 = arith.cmpi ne, %convert_element_type3A, %cond3A : i32
    scf.if %cond3A_42 {
      %broadcast_in_dim3A_54 = arith.constant 0.000000e+00 : f32
      %broadcast_in_dim3A_55 = vector.broadcast %broadcast_in_dim3A_54 : f32 to vector<1x128xf32>
      %swap3A_56 = arith.constant 0 : index
      %swap3A_57 = arith.constant 0 : index
      %swap3A_58 = vector.load %arg10[%swap3A_56, %swap3A_57] : memref<1x128xf32, #tpu.memory_space<vmem>>, vector<1x128xf32>
      tpu.vector_store %arg10[%swap3A_56, %swap3A_57], %broadcast_in_dim3A_55 {strides = array<i32>} : memref<1x128xf32, #tpu.memory_space<vmem>>, vector<1x128xf32>,
    } else {
    }
    %get3A_43 = arith.constant 0 : index
    %get3A_44 = arith.constant 0 : index
    %get3A_45 = vector.load %arg10[%get3A_43, %get3A_44] : memref<1x128xf32, #tpu.memory_space<vmem>>, vector<1x128xf32>
    %add3A_46 = arith.addf %get3A_45, %broadcast_in_dim3A : vector<1x128xf32>
    %swap3A = arith.constant 0 : index
    %swap3A_47 = arith.constant 0 : index
    %swap3A_48 = vector.load %arg10[%swap3A, %swap3A_47] : memref<1x128xf32, #tpu.memory_space<vmem>>, vector<1x128xf32>
    tpu.vector_store %arg10[%swap3A, %swap3A_47], %add3A_46 {strides = array<i32>} : memref<1x128xf32, #tpu.memory_space<vmem>>, vector<1x128xf32>,
    %eq3A_49 = arith.constant 9 : i32
    %eq3A_50 = arith.cmpi eq, %arg0, %eq3A_49 : i32
    %convert_element_type3A_51 = arith.extui %eq3A_50 : i1 to i32
    %cond3A_52 = arith.constant 0 : i32
    %cond3A_53 = arith.cmpi ne, %convert_element_type3A_51, %cond3A_52 : i32
    scf.if %cond3A_53 {
      %get3A_54 = arith.constant 0 : index
      %get3A_55 = arith.constant 0 : index
      %get3A_56 = vector.load %arg10[%get3A_54, %get3A_55] : memref<1x128xf32, #tpu.memory_space<vmem>>, vector<1x128xf32>
      %div3A_57 = arith.constant 1.000000e+04 : f32
      %div3A_58 = vector.broadcast %div3A_57 : f32 to vector<1x128xf32>
      %div3A_59 = arith.divf %get3A_56, %div3A_58 : vector<1x128xf32>
      %get3A_60 = arith.constant 0 : index
      %get3A_61 = arith.constant 0 : index
      %get3A_62 = vector.load %arg7[%get3A_60, %get3A_61] : memref<128x64xf32, #tpu.memory_space<vmem>>, vector<128x64xf32>
      %dot_general3A_63 = arith.constant dense<0.000000e+00> : vector<1x64xf32>
      %dot_general3A_64 = tpu.matmul %div3A_59, %get3A_62, %dot_general3A_63 {dimension_numbers = #tpu.dot_dimension_numbers<[1], [0], [0], [1], [0, 0, 1, 1], [], []>, transpose_lhs_hint = false} : vector<1x128xf32>, vector<128x64xf32>, vector<1x64xf32> -> vector<1x64xf32>
      %get3A_65 = arith.constant 0 : index
      %get3A_66 = arith.constant 0 : index
      %get3A_67 = vector.load %arg8[%get3A_65, %get3A_66] : memref<1x64xf32, #tpu.memory_space<vmem>>, vector<1x64xf32>
      %add3A_68 = arith.addf %dot_general3A_64, %get3A_67 : vector<1x64xf32>
      %swap3A_69 = arith.constant 0 : index
      %swap3A_70 = arith.constant 0 : index
      %swap3A_71 = vector.load %arg9[%swap3A_69, %swap3A_70] : memref<1x64xf32, #tpu.memory_space<vmem>>, vector<1x64xf32>
      tpu.vector_store %arg9[%swap3A_69, %swap3A_70], %add3A_68 {strides = array<i32>} : memref<1x64xf32, #tpu.memory_space<vmem>>, vector<1x64xf32>,
    } else {
    }
    return
  }
  func.func @transform_0(%arg0: i32) -> (i32, i32) {
    %c0_i32 = arith.constant 0 : i32
    %c0_i32_0 = arith.constant 0 : i32
    return %arg0, %c0_i32 : i32, i32
  }
  func.func @transform_1(%arg0: i32) -> (i32, i32, i32) {
    %c0_i32 = arith.constant 0 : i32
    %c0_i32_0 = arith.constant 0 : i32
    %c0_i32_1 = arith.constant 0 : i32
    return %c0_i32, %arg0, %c0_i32_0 : i32, i32, i32
  }
  func.func @transform_2(%arg0: i32) -> (i32, i32, i32) {
    %c0_i32 = arith.constant 0 : i32
    %c0_i32_0 = arith.constant 0 : i32
    %c0_i32_1 = arith.constant 0 : i32
    return %c0_i32, %arg0, %c0_i32_0 : i32, i32, i32
  }
  func.func @transform_3(%arg0: i32) -> (i32, i32) {
    %c0_i32 = arith.constant 0 : i32
    %c0_i32_0 = arith.constant 0 : i32
    %c0_i32_1 = arith.constant 0 : i32
    return %c0_i32, %c0_i32_0 : i32, i32
  }
  func.func @transform_4(%arg0: i32) -> (i32, i32) {
    %c0_i32 = arith.constant 0 : i32
    %c0_i32_0 = arith.constant 0 : i32
    %c0_i32_1 = arith.constant 0 : i32
    return %c0_i32, %c0_i32_0 : i32, i32
  }
  func.func @transform_5(%arg0: i32) -> (i32, i32) {
    %c0_i32 = arith.constant 0 : i32
    %c0_i32_0 = arith.constant 0 : i32
    %c0_i32_1 = arith.constant 0 : i32
    return %c0_i32, %c0_i32_0 : i32, i32
  }
  func.func @transform_6(%arg0: i32) -> (i32, i32) {
    %c0_i32 = arith.constant 0 : i32
    %c0_i32_0 = arith.constant 0 : i32
    %c0_i32_1 = arith.constant 0 : i32
    return %c0_i32, %c0_i32_0 : i32, i32
  }
  func.func @transform_7(%arg0: i32) -> (i32, i32) {
    %c0_i32 = arith.constant 0 : i32
    %c0_i32_0 = arith.constant 0 : i32
    %c0_i32_1 = arith.constant 0 : i32
    return %c0_i32, %c0_i32_0 : i32, i32
  }
  func.func @transform_8(%arg0: i32) -> (i32, i32) {
    %c0_i32 = arith.constant 0 : i32
    %c0_i32_0 = arith.constant 0 : i32
    %c0_i32_1 = arith.constant 0 : i32
    return %c0_i32, %c0_i32_0 : i32, i32
  }
}

</mosaic_0001>

<sc_bundles>
// kernel: kernel.11.cloned.1.call-start
scs
__scs_entry_jumppad:
0x0: {  	(pc) =	sbr.rel $0x88, $3  }
0x1: {  	(tag) =	ssettag $0x0;
	lr =	simm.s32 $0x1  }
0x2: {  	[smem:$0x3F91] =	sst lr;
	_ =	strace $0xD0000000  }
0x3: {  	_ = 	snop  }
0x4: {  	_ = 	snop  }
0x5: {  	_ = 	snop  }
0x6: {  	_ = 	snop  }
0x7: {  	_ = 	snop  }
__scs_overlays_trampoline_lowered:
0x8: {  	[smem:$0x3FA0] =	sst s0  }
0x9: {  	[smem:$0x3FA1] =	sst s1  }
0xa: {  	[smem:$0x3FA2] =	sst s2  }
0xb: {  	[smem:$0x3FA3] =	sst s3  }
0xc: {  	[smem:$0x3FA4] =	sst s4  }
0xd: {  	[smem:$0x3FA5] =	sst s5  }
0xe: {  	[smem:$0x3FA6] =	sst s6  }
0xf: {  	[smem:$0x3FA7] =	sst s7  }
0x10: {  	[smem:$0x3FA8] =	sst s8  }
0x11: {  	[smem:$0x3FA9] =	sst s9;
	s0 =	simm.s32 @!p0 $0x0  }
0x12: {  	s1 =	sld [smem:$0x3F8F];
	s0 =	simm.s32 @p0 $0x1  }
0x13: {  	[smem:$0x3FAA] =	sst s0;
	s0 =	simm.s32 @!p1 $0x0  }
0x14: {  	s2 =	sld [smem:$0x3F8E];
	s0 =	simm.s32 @p1 $0x1  }
0x15: {  	[smem:$0x3FAB] =	sst s0;
	s0 =	simm.s32 @!p2 $0x0  }
0x16: {  	s3 =	sld [smem:$0x3FDB];
	s0 =	simm.s32 @p2 $0x1  }
0x17: {  	s4 =	simm.s32 $0x1BF5;
	[smem:$0x3FAD] =	sst s0  }
0x18: {  	s0 =	sld [smem:$0x3F90];
	_ =	swait.ge [sflag:s4], $0x0  }
0x19: {  	s7 =	sld [smem:$0x3F91]  }
0x1a: {  	s8 =	sadd.s32 $0xFFFFE003, lr  }
0x1b: {  	s9 =	sadd.s32 $0xFFFFFEF7, lr;
	s5 =	simm.s32 $0xFFFFFFFF;
	p2 =	slt.u32 s8, $0xFFFFF086  }
0x1c: {  	p1 =	slt.u32 s9, $0xF7A;
	s5 =	simm.s32 @!p2 $0x0  }
0x1d: {  	s5 =	simm.s32 @p1 $0x1;
	p0 =	seq.s32 s7, s2  }
0x1e: {  	s7 =	smul.u32 @!p0 $0xF7A, s2;
	p2 =	seq.s32 @!p0 s5, $0x0  }
0x1f: {  	s9 =	smul.u32 $0xF7A, s1;
	s8 =	simm.s32 @!p0 $0x1BF5;
	p2 =	por !p2, p0  }
0x20: {  	[sflag:s8] =	ssyncset.s32 @!p0 $0xFFFFF086;
	s6 =	sadd.s32 @!p0 s3, s7;
	s7 =	simm.s32 @!p0 $0x108  }
0x21: {  	s3 =	sadd.s32 s3, s9;
	s6 =	sadd.s32 @!p0 $0x88, s6;
	s7 =	simm.s32 @p2 $0x1082  }
0x22: {  	[simem:s7], [sflag:s8] =	dma.local @!p0 [hbm:s6], $0xF7A  }
0x23: {  	s9 =	sor.u32 $0xD0000000, s2;
	s6 =	simm.s32 $0x108;
	_ =	swait.ge @!p0 [sflag:s8], $0x0  }
0x24: {  	s3 =	sadd.s32 $0x88, s3;
	s6 =	simm.s32 @!p1 $0x1082;
	[sflag:s4] =	ssyncset.s32 $0xFFFFF086  }
0x25: {  	[simem:s6], [sflag:s4] =	dma.local [hbm:s3], $0xF7A  }
0x26: {  	[smem:$0x3F91] =	sst s1;
	(tag) =	ssettag s2;
	_ =	strace s9  }
0x27: {  	s1 =	sld [smem:$0x3FA1]  }
0x28: {  	s2 =	sld [smem:$0x3FA2]  }
0x29: {  	s4 =	sld [smem:$0x3FA4]  }
0x2a: {  	p0 =	seq.s32 s5, $0x0;
	s5 =	sld [smem:$0x3FA5]  }
0x2b: {  	s6 =	sld [smem:$0x3FA6]  }
0x2c: {  	s7 =	sld [smem:$0x3FA7]  }
0x2d: {  	s3 =	simm.s32 $0x108;
	s8 =	sld [smem:$0x3FA8]  }
0x2e: {  	s3 =	simm.s32 @!p0 $0x1082;
	s9 =	sld [smem:$0x3FA9]  }
0x2f: {  	lr =	sadd.s32 s0, s3;
	s0 =	sld [smem:$0x3FA0]  }
0x30: {  	s3 =	sld [smem:$0x3FA3]  }
0x31: {  	[smem:$0x3FAC] =	sst s10  }
0x32: {  	s10 =	sld [smem:$0x3FAA];
	_ =	sdelay $0x3  }
0x33: {  	p0 =	seq.s32 s10, $0x1;
	s10 =	sld [smem:$0x3FAC];
	_ =	sdelay $0x3  }
0x34: {  	[smem:$0x3FAC] =	sst s10  }
0x35: {  	s10 =	sld [smem:$0x3FAB];
	_ =	sdelay $0x3  }
0x36: {  	p1 =	seq.s32 s10, $0x1;
	s10 =	sld [smem:$0x3FAC];
	_ =	sdelay $0x3  }
0x37: {  	[smem:$0x3FAC] =	sst s10  }
0x38: {  	s10 =	sld [smem:$0x3FAD]  }
0x39: {  	_ = 	snop;
	(pc) =	sbr.ind lr, $3  }
0x3a: {  	_ = 	snop  }
0x3b: {  	_ = 	snop  }
0x3c: {  	p2 =	seq.s32 s10, $0x1;
	s10 =	sld [smem:$0x3FAC]  }
0x3d: {  	_ =	shalt  }
0x3e: {  	_ =	shalt  }
0x3f: {  	_ =	shalt  }
0x40: {  	_ =	shalt  }
0x41: {  	_ =	shalt  }
0x42: {  	_ =	shalt  }
0x43: {  	_ =	shalt  }
0x44: {  	_ =	shalt  }
0x45: {  	_ =	shalt  }
0x46: {  	_ =	shalt  }
0x47: {  	_ =	shalt  }
0x48: {  	_ =	shalt  }
0x49: {  	_ =	shalt  }
0x4a: {  	_ =	shalt  }
0x4b: {  	_ =	shalt  }
0x4c: {  	_ =	shalt  }
0x4d: {  	_ =	shalt  }
0x4e: {  	_ =	shalt  }
0x4f: {  	_ =	shalt  }
0x50: {  	_ =	shalt  }
0x51: {  	_ =	shalt  }
0x52: {  	_ =	shalt  }
0x53: {  	_ =	shalt  }
0x54: {  	_ =	shalt  }
0x55: {  	_ =	shalt  }
0x56: {  	_ =	shalt  }
0x57: {  	_ =	shalt  }
0x58: {  	_ =	shalt  }
0x59: {  	_ =	shalt  }
0x5a: {  	_ =	shalt  }
0x5b: {  	_ =	shalt  }
0x5c: {  	_ =	shalt  }
0x5d: {  	_ =	shalt  }
0x5e: {  	_ =	shalt  }
0x5f: {  	_ =	shalt  }
0x60: {  	_ =	shalt  }
0x61: {  	_ =	shalt  }
0x62: {  	_ =	shalt  }
0x63: {  	_ =	shalt  }
0x64: {  	_ =	shalt  }
0x65: {  	_ =	shalt  }
0x66: {  	_ =	shalt  }
0x67: {  	_ =	shalt  }
0x68: {  	_ =	shalt  }
0x69: {  	_ =	shalt  }
0x6a: {  	_ =	shalt  }
0x6b: {  	_ =	shalt  }
0x6c: {  	_ =	shalt  }
0x6d: {  	_ =	shalt  }
0x6e: {  	_ =	shalt  }
0x6f: {  	_ =	shalt  }
0x70: {  	_ =	shalt  }
0x71: {  	_ =	shalt  }
0x72: {  	_ =	shalt  }
0x73: {  	_ =	shalt  }
0x74: {  	_ =	shalt  }
0x75: {  	_ =	shalt  }
0x76: {  	_ =	shalt  }
0x77: {  	_ =	shalt  }
0x78: {  	_ =	shalt  }
0x79: {  	_ =	shalt  }
0x7a: {  	_ =	shalt  }
0x7b: {  	_ =	shalt  }
0x7c: {  	_ =	shalt  }
0x7d: {  	_ =	shalt  }
0x7e: {  	_ =	shalt  }
0x7f: {  	_ =	shalt  }
0x80: {  	_ =	shalt  }
0x81: {  	_ =	shalt  }
0x82: {  	_ =	shalt  }
0x83: {  	_ =	shalt  }
0x84: {  	_ =	shalt  }
0x85: {  	_ =	shalt  }
0x86: {  	_ =	shalt  }
0x87: {  	_ =	shalt  }
.Lfunc_end0:
.L_simem_size_0:
called_computation_lowered:
.L_overlay_start_0:
0x88: {  	s2 =	sld [smem:$0x3FD9]  }
0x89: {  	s3 =	sld [smem:$0x3FFE];
	_ =	sdelay $0x1  }
0x8a: {  	s1 =	srdreg.scid  }
0x8b: {  	s0 =	sand.u32 $0x1, s1  }
0x8c: {  	s17 =	sshll.u32 s0, $0xA;
	s2 =	sadd.s32 s3, s2  }
0x8d: {  	s2 =	sadd.s32 s2, s17  }
0x8e: {  	[smem:$0x3FB8] =	sst s2  }
0x8f: {  	_ = 	snop  }
0x90: {  	(tm) =	ssettm $0x1  }
0x91: {  	s18 =	sld [smem:$0x3FFB];
	_ =	sdelay $0x3  }
0x92: {  	_ =	strace s18  }
0x93: {  	s2 =	sld [smem:$0x3FFC];
	_ =	sdelay $0x3  }
0x94: {  	_ =	strace s2  }
0x95: {  	s2 =	sld [smem:$0x3FFD];
	_ =	sdelay $0x3  }
0x96: {  	_ =	strace s2  }
0x97: {  	_ =	strace $0x8FFFFFFF  }
0x98: {  	s19 =	sld [smem:$0x3FDB];
	_ =	sdelay $0x1  }
0x99: {  	s20 =	simm.s32 $_scs_section_size  }
0x9a: {  	s4 =	simm.s32 $_size__tile_overlayer_lowered;
	s5 =	simm.s32 $_tile_overlayer_lowered  }
0x9b: {  	s6 =	simm.s32 $0x1BFF;
	s21 =	sshll.u32 s5, $0x1;
	s3 =	sadd.s32 s20, s19  }
0x9c: {  	s22 =	simm.s32 $0x0;
	s4 =	sshll.u32 s4, $0x1;
	s5 =	sadd.s32 s21, s3  }
0x9d: {  	[timem:s22], [sflag:s6] =	dma.local [hbm:s5], s4  }
0x9e: {  	_ =	swait.ge [sflag:s6], s4  }
0x9f: {  	s4 =	ssub.s32 $0x0, s4;
	[sflag:s6] =	ssyncset.done $0x0  }
0xa0: {  	[sflag:s6] =	ssyncadd.s32 s4;
	_ =	sdelay $0x1  }
0xa1: {  	s23 =	simm.s32 $0x1B8B  }
0xa2: {  	_ =	swait.ge [sflag:s23], $0x1  }
0xa3: {  	[sflag:s23] =	ssyncset.done $0x0  }
0xa4: {  	[sflag:s23] =	ssyncadd.s32 $0xFFFFFFFF  }
0xa5: {  	s4 =	sld [smem:$0x0]  }
0xa6: {  	s5 =	sand.u32 $0xFFFFFFFE, s1  }
0xa7: {  	p0 =	sne.s32 s1, s5  }
0xa8: {  	s5 =	sshll.u32 @p0 s5, $0xE  }
0xa9: {  	s5 =	sadd.s32 @p0 $0x11B8D, s5;
	s6 =	sshll.u32 @p0 s4, $0x11  }
0xaa: {  	s5 =	sor.u32 @p0 s6, s5  }
0xab: {  	[sflag:s5] =	ssyncadd.remote.s32 @p0 $0x1;
	_ =	sdelay $0x1  }
0xac: {  	s5 =	simm.s32 @p0 $0x1B8D  }
0xad: {  	_ =	swait.eq @p0 [sflag:s5], $0x1  }
0xae: {  	[sflag:s5] =	ssyncadd.s32 @p0 $0xFFFFFFFF  }
0xaf: {  	s6 =	sshll.u32 @!p0 s1, $0xE  }
0xb0: {  	s6 =	sor.u32 @!p0 $0x4000, s6;
	s5 =	simm.s32 @!p0 $0x1B8D  }
0xb1: {  	s4 =	sshll.u32 @!p0 s4, $0x11;
	s6 =	sadd.s32 @!p0 $0x11B8D, s6;
	_ =	swait.eq @!p0 [sflag:s5], $0x1  }
0xb2: {  	s4 =	sor.u32 @!p0 s4, s6;
	[sflag:s5] =	ssyncadd.s32 @!p0 $0xFFFFFFFF  }
0xb3: {  	s25 =	simm.s32 $0x1B8E;
	s24 =	sld [smem:$0x3FFE];
	[sflag:s4] =	ssyncadd.remote.s32 @!p0 $0x1  }
0xb4: {  	s26 =	simm.s32 $execute0_lowered;
	[smem:$0x3FD2] =	sst s25  }
0xb5: {  	s5 =	sshll.u32 s26, $0x1;
	_ =	strace $0x80000049;
	[dreg:$0x1] =	wrdreg $0xFFFFFFFF  }
0xb6: {  	s28 =	simm.s32 $_size_execute0_lowered;
	s3 =	sadd.s32 s3, s5;
	[dreg:$0x0] =	wrdreg $0x0  }
0xb7: {  	s5 =	sshll.u32 s28, $0x1;
	[dreg:$0x2] =	wrdreg s3  }
0xb8: {  	[dreg:$0x3] =	wrdreg s5  }
0xb9: {  	[dreg:$0x4] =	wrdreg $0xC0  }
0xba: {  	_ =	task [dreg:s22], $0x5FFFF  }
0xbb: {  	[dreg:$0x1] =	wrdreg $0xFFFFFFFF  }
0xbc: {  	[dreg:$0x0] =	wrdreg $0x60  }
0xbd: {  	[dreg:$0x2] =	wrdreg s24  }
0xbe: {  	[dreg:$0x3] =	wrdreg $0x41000  }
0xbf: {  	[dreg:$0x4] =	wrdreg $0x9  }
0xc0: {  	_ =	task.clear_ibuf [dreg:s22], $0x5FFFF;
	_ =	strace $0x90000049  }
0xc1: {  	s29 =	simm.s32 $0x9;
	_ =	strace $0x8000004B  }
0xc2: {  	_ =	swait.ge [sflag:s29], $0x1  }
0xc3: {  	[sflag:s29] =	ssyncadd.s32 $0xFFFFFFFF  }
0xc4: {  	_ =	strace $0x9000004B  }
0xc5: {  	_ =	sfence  }
0xc6: {  	s30 =	sld [smem:$0x0];
	_ =	sdelay $0x2  }
0xc7: {  	s31 =	sshll.u32 s1, $0xD;
	s1 =	sshrl.u32 s1, $0x2  }
0xc8: {  	s4 =	sand.u32 $0x4000, s31;
	s1 =	sadd.s32 s1, s30  }
0xc9: {  	s0 =	sor.u32 s4, s0;
	s1 =	sshll.u32 s1, $0x11  }
0xca: {  	s0 =	sor.u32 s1, s0  }
0xcb: {  	s0 =	sadd.s32 $0x8F2B, s0  }
0xcc: {  	[sflag:s0] =	ssyncadd.remote.s32 $0x1  }
0xcd: {  	_ =	sfence.sel $0xFFFF  }
0xce: {  	[dreg:$0x0] =	wrdreg $0xFFFFFFFF;
	(pc) =	sbr.abs _section_cstart, $3  }
0xcf: {  	[dreg:$0x1] =	wrdreg $0xFFFFFFFF  }
0xd0: {  	_ =	task.clear_ibuf [dreg:s22], $0x2FFFF;
	_ =	strace $0x9FFFFFFF  }
0xd1: {  	(tm) =	ssettm $0x7FFFFFFF  }
tec
execute0_lowered:
.L_overlay_start_1:
0x0: {  	(tag) =	ssettag $0x1  }
0x1: {  	s6 =	rddreg [dreg:$0x0]  }
0x2: {  	s1 =	rddreg [dreg:$0x1]  }
0x3: {  	s0 =	rddreg [dreg:$0x2];
	s2 =	simm.s32 $0x0  }
0x4: {  	s3 =	srdreg.scid;
	s16 =	simm.s32 $0x80;
	s17 =	simm.s32 $0x1  }
0x5: {  	s18 =	simm.s32 $0x2;
	[smem:$0x7FF] =	sst s2;
	s7 =	sand.u32 $0x1, s3  }
0x6: {  	s19 =	simm.s32 $0x0;
	s3 =	stileid.u32;
	s8 =	smul.u32 $0x13C000, s7  }
0x7: {  	s11 =	sadd.s32 $0x4E00, s6;
	s4 =	sadd.s32 $0x19200, s6;
	s9 =	smul.u32 $0x13C00, s3  }
0x8: {  	_ =	strace $0x8000004A;
	s5 =	sshll.u32 s3, $0x1;
	s12 =	smul.u32 $0x4F000, s3  }
0x9: {  	s26 =	ssub.s32 $0x2, s7;
	s13 =	smul.u32 $0xA0, s3;
	s29 =	sshll.u32 s3, $0x6  }
0xa: {  	s10 =	sor.u32 s7, s5;
	s5 =	sadd.s32 $0x6AA00, s6;
	s7 =	smul.u32 $0x50, s7  }
0xb: {  	s14 =	sshrl.u32 s26, $0x1;
	s8 =	sadd.s32 s9, s8;
	s25 =	smul.u32 $0x500, s10  }
0xc: {  	s12 =	sshrl.u32 s12, $0x2;
	s10 =	ssub.s32 s26, s14;
	s14 =	simm.s32 $0x3  }
0xd: {  	s8 =	sshrl.u32 s8, $0x3;
	s28 =	sadd.s32 s12, s1;
	s30 =	sadd.s32 s7, s13  }
0xe: {  	s7 =	sor.u32 $0x1C03, s29;
	s10 =	smax.u32 s10, $0x1;
	s15 =	sadd.s32 s8, s6  }
0xf: {  	s6 =	sadd.s32 s11, s25;
	s31 =	sshll.u32 s30, $0x4;
	s13 =	sshrl.u32 s28, $0x3  }
0x10: {  	s8 =	sadd.s32 $0x10, s6;
	s9 =	sadd.s32 $0x6B200, s15;
	s12 =	sadd.s32 s31, s11  }
0x11: {  	s15 =	simm.s32 $0x100;
	s11 =	sadd.s32 $0x30, s12;
	s12 =	sadd.s32 $0x20, s12  }
.LBB2_1:
0x12: {  	[spmem:s13], [sflag:s7] =	dma.local [hbm:s4], $0x2780  }
0x13: {  	_ =	swait.ge [sflag:s14], $0x2780  }
0x14: {  	[sflag:s14] =	ssyncset.done $0x0  }
0x15: {  	[sflag:s14] =	ssyncadd.s32 $0xFFFFD880  }
0x16: {  	[tilespmem:s15], [sflag:$0x3] =	stream.linear.gather [hbm4b:s5+s2], $0x4000, $0x38;
	[tilespmem:$0x17D00] =	vst v63  }
0x17: {  	_ =	swait.ge [sflag:s14], $0x4000  }
0x18: {  	[sflag:s14] =	ssyncset.done $0x0  }
0x19: {  	[sflag:s14] =	ssyncadd.s32 $0xFFFFC000  }
0x1a: {  	[bflag:$0x0] =	sbarrier.arrive $0xFFFF  }
0x1b: {  	[tilespmem:s2], [sflag:$0x1] =	stream.linear.gather [hbm4b:s6+s2], $0x80, $0x38;
	[tilespmem:$0x17D00] =	vst v63  }
0x1c: {  	_ = 	snop  }
0x1d: {  	[tilespmem:s16], [sflag:$0x2] =	stream.linear.gather [hbm4b:s8+s2], $0x80, $0x38;
	[tilespmem:$0x17D00] =	vst v63  }
0x1e: {  	_ =	swait.ge [sflag:s17], $0x80  }
0x1f: {  	[sflag:s17] =	ssyncset.done $0x0  }
0x20: {  	[sflag:s17] =	ssyncadd.s32 $0xFFFFFF80  }
0x21: {  	[spmem:s1] =	stream.indirect.scatter.add.f32 [tilespmem:s15], [sflag:$0x3], $0x80, s2, s16, $0xb8;
	[tilespmem:$0x17D00] =	vst v63  }
0x22: {  	_ =	swait.ge [sflag:s14], $0x4000  }
0x23: {  	[sflag:s14] =	ssyncset.done $0x0  }
0x24: {  	s20 =	sadd.s32 $0x0, s12;
	[sflag:s14] =	ssyncadd.s32 $0xFFFFC000  }
0x25: {  	[tilespmem:s2], [sflag:$0x1] =	stream.linear.gather [hbm4b:s20+s2], $0x80, $0x38;
	[tilespmem:$0x17D00] =	vst v63  }
0x26: {  	_ =	swait.ge [sflag:s18], $0x80  }
0x27: {  	[sflag:s18] =	ssyncset.done $0x0  }
0x28: {  	[sflag:s18] =	ssyncadd.s32 $0xFFFFFF80  }
0x29: {  	[spmem:s1] =	stream.indirect.scatter.add.f32 [tilespmem:s15], [sflag:$0x3], $0x80, s16, s16, $0xb8;
	[tilespmem:$0x17D00] =	vst v63  }
0x2a: {  	_ =	swait.ge [sflag:s14], $0x4000  }
0x2b: {  	[sflag:s14] =	ssyncset.done $0x0  }
0x2c: {  	s21 =	sadd.s32 $0x0, s11;
	s20 =	simm.s32 $0x20;
	[sflag:s14] =	ssyncadd.s32 $0xFFFFC000  }
.LBB2_2:
0x2d: {  	[tilespmem:s16], [sflag:$0x2] =	stream.linear.gather [hbm4b:s21+s2], $0x80, $0x38;
	[tilespmem:$0x17D00] =	vst v63  }
0x2e: {  	s21 =	smov.u32 s20  }
0x2f: {  	p0 =	sne.s32 s20, $0x4E0;
	s20 =	sadd.s32 $0x20, s20;
	_ =	swait.ge [sflag:s17], $0x80  }
0x30: {  	[sflag:s17] =	ssyncset.done $0x0  }
0x31: {  	[sflag:s17] =	ssyncadd.s32 $0xFFFFFF80  }
0x32: {  	[spmem:s1] =	stream.indirect.scatter.add.f32 [tilespmem:s15], [sflag:$0x3], $0x80, s2, s16, $0xb8;
	[tilespmem:$0x17D00] =	vst v63  }
0x33: {  	_ =	swait.ge [sflag:s14], $0x4000  }
0x34: {  	[sflag:s14] =	ssyncset.done $0x0  }
0x35: {  	s22 =	sadd.s32 s21, s12;
	[sflag:s14] =	ssyncadd.s32 $0xFFFFC000  }
0x36: {  	[tilespmem:s2], [sflag:$0x1] =	stream.linear.gather [hbm4b:s22+s2], $0x80, $0x38;
	[tilespmem:$0x17D00] =	vst v63  }
0x37: {  	_ =	swait.ge [sflag:s18], $0x80  }
0x38: {  	[sflag:s18] =	ssyncset.done $0x0  }
.Ltmp0:
0x39: {  	[sflag:s18] =	ssyncadd.s32 $0xFFFFFF80;
	(pc) =	sbr.rel @p0 .LBB2_2-.Ltmp0, $4  }
0x3a: {  	[spmem:s1] =	stream.indirect.scatter.add.f32 [tilespmem:s15], [sflag:$0x3], $0x80, s16, s16, $0xb8;
	[tilespmem:$0x17D00] =	vst v63  }
0x3b: {  	_ =	swait.ge [sflag:s14], $0x4000  }
0x3c: {  	[sflag:s14] =	ssyncset.done $0x0  }
0x3d: {  	s21 =	sadd.s32 s21, s11;
	[sflag:s14] =	ssyncadd.s32 $0xFFFFC000  }
0x3e: {  	[tilespmem:s16], [sflag:$0x2] =	stream.linear.gather [hbm4b:s21+s2], $0x80, $0x38;
	[tilespmem:$0x17D00] =	vst v63  }
0x3f: {  	_ =	swait.ge [sflag:s17], $0x80  }
0x40: {  	[sflag:s17] =	ssyncset.done $0x0  }
0x41: {  	[sflag:s17] =	ssyncadd.s32 $0xFFFFFF80  }
0x42: {  	_ =	swait.ge [sflag:s18], $0x80  }
0x43: {  	s19 =	sadd.s32 $0x1, s19;
	[sflag:s18] =	ssyncset.done $0x0  }
0x44: {  	p0 =	sne.s32 s19, s10;
	[sflag:s18] =	ssyncadd.s32 $0xFFFFFF80  }
.Ltmp1:
0x45: {  	[bflag:$0x0] =	sbarrier.arrive $0xFFFF;
	(pc) =	sbr.rel @p0 .LBB2_1-.Ltmp1, $4  }
0x46: {  	[hbm:s9], [sflag:s7] =	dma.local [spmem:s13], $0x2780  }
0x47: {  	_ =	swait.ge [sflag:s14], $0x2780  }
0x48: {  	[sflag:s14] =	ssyncset.done $0x0  }
0x49: {  	[sflag:s14] =	ssyncadd.s32 $0xFFFFD880  }
0x4a: {  	_ =	sfence.sel $0x180000  }
0x4b: {  	[bflag:$0x0] =	sbarrier.arrive $0xFFFF  }
0x4c: {  	p0 =	sne.s32 s3, $0x0;
	_ =	strace $0x9000004A  }
0x4d: {  	s0 =	sadd.s32 @!p0 $0x100000, s0;
	[bflag:$0x2] =	sbarrier.arrive $0xFFFF  }
0x4e: {  	[sflag:s0] =	ssyncadd.tile.s32 @!p0 $0x1;
	_ =	shalt  }
.Lfunc_end2:
_tile_overlayer_lowered:
.L_overlay_start_2:
0x4f: {  	(tag) =	ssettag $0x2  }
0x50: {  	s0 =	rddreg [dreg:$0x0];
	s2 =	stileid.u32  }
0x51: {  	s1 =	rddreg [dreg:$0x1];
	p0 =	sne.s32 s2, $0x0  }
0x52: {  	s3 =	rddreg [dreg:$0x2];
	[bflag:$0x3] =	sbarrier.arrive $0xFFFF;
	s2 =	simm.s32 @!p0 $0x1C03  }
0x53: {  	[timem:s3], [sflag:s2] =	dma.local @!p0 [hbm:s0], s1  }
0x54: {  	s0 =	simm.s32 @!p0 $0x3  }
0x55: {  	_ =	swait.ge @!p0 [sflag:s0], s1  }
0x56: {  	s1 =	ssub.s32 @!p0 $0x0, s1;
	[sflag:s0] =	ssyncset.done @!p0 $0x0  }
0x57: {  	[sflag:s0] =	ssyncadd.s32 @!p0 s1  }
0x58: {  	[bflag:$0x3] =	sbarrier.arrive $0xFFFF  }
0x59: {  	_ =	shalt  }

// kernel: kernel.14.cloned.1.call-start
scs
__scs_entry_jumppad:
0x0: {  	(pc) =	sbr.rel $0x88, $3  }
0x1: {  	(tag) =	ssettag $0x0;
	lr =	simm.s32 $0x1  }
0x2: {  	[smem:$0x3F91] =	sst lr;
	_ =	strace $0xD0000000  }
0x3: {  	_ = 	snop  }
0x4: {  	_ = 	snop  }
0x5: {  	_ = 	snop  }
0x6: {  	_ = 	snop  }
0x7: {  	_ = 	snop  }
__scs_overlays_trampoline_lowered:
0x8: {  	[smem:$0x3FA0] =	sst s0  }
0x9: {  	[smem:$0x3FA1] =	sst s1  }
0xa: {  	[smem:$0x3FA2] =	sst s2  }
0xb: {  	[smem:$0x3FA3] =	sst s3  }
0xc: {  	[smem:$0x3FA4] =	sst s4  }
0xd: {  	[smem:$0x3FA5] =	sst s5  }
0xe: {  	[smem:$0x3FA6] =	sst s6  }
0xf: {  	[smem:$0x3FA7] =	sst s7  }
0x10: {  	[smem:$0x3FA8] =	sst s8  }
0x11: {  	[smem:$0x3FA9] =	sst s9;
	s0 =	simm.s32 @!p0 $0x0  }
0x12: {  	s1 =	sld [smem:$0x3F8F];
	s0 =	simm.s32 @p0 $0x1  }
0x13: {  	[smem:$0x3FAA] =	sst s0;
	s0 =	simm.s32 @!p1 $0x0  }
0x14: {  	s2 =	sld [smem:$0x3F8E];
	s0 =	simm.s32 @p1 $0x1  }
0x15: {  	[smem:$0x3FAB] =	sst s0;
	s0 =	simm.s32 @!p2 $0x0  }
0x16: {  	s3 =	sld [smem:$0x3FDB];
	s0 =	simm.s32 @p2 $0x1  }
0x17: {  	s4 =	simm.s32 $0x1BF5;
	[smem:$0x3FAD] =	sst s0  }
0x18: {  	s0 =	sld [smem:$0x3F90];
	_ =	swait.ge [sflag:s4], $0x0  }
0x19: {  	s7 =	sld [smem:$0x3F91]  }
0x1a: {  	s8 =	sadd.s32 $0xFFFFE003, lr  }
0x1b: {  	s9 =	sadd.s32 $0xFFFFFEF7, lr;
	s5 =	simm.s32 $0xFFFFFFFF;
	p2 =	slt.u32 s8, $0xFFFFF086  }
0x1c: {  	p1 =	slt.u32 s9, $0xF7A;
	s5 =	simm.s32 @!p2 $0x0  }
0x1d: {  	s5 =	simm.s32 @p1 $0x1;
	p0 =	seq.s32 s7, s2  }
0x1e: {  	s7 =	smul.u32 @!p0 $0xF7A, s2;
	p2 =	seq.s32 @!p0 s5, $0x0  }
0x1f: {  	s9 =	smul.u32 $0xF7A, s1;
	s8 =	simm.s32 @!p0 $0x1BF5;
	p2 =	por !p2, p0  }
0x20: {  	[sflag:s8] =	ssyncset.s32 @!p0 $0xFFFFF086;
	s6 =	sadd.s32 @!p0 s3, s7;
	s7 =	simm.s32 @!p0 $0x108  }
0x21: {  	s3 =	sadd.s32 s3, s9;
	s6 =	sadd.s32 @!p0 $0x88, s6;
	s7 =	simm.s32 @p2 $0x1082  }
0x22: {  	[simem:s7], [sflag:s8] =	dma.local @!p0 [hbm:s6], $0xF7A  }
0x23: {  	s9 =	sor.u32 $0xD0000000, s2;
	s6 =	simm.s32 $0x108;
	_ =	swait.ge @!p0 [sflag:s8], $0x0  }
0x24: {  	s3 =	sadd.s32 $0x88, s3;
	s6 =	simm.s32 @!p1 $0x1082;
	[sflag:s4] =	ssyncset.s32 $0xFFFFF086  }
0x25: {  	[simem:s6], [sflag:s4] =	dma.local [hbm:s3], $0xF7A  }
0x26: {  	[smem:$0x3F91] =	sst s1;
	(tag) =	ssettag s2;
	_ =	strace s9  }
0x27: {  	s1 =	sld [smem:$0x3FA1]  }
0x28: {  	s2 =	sld [smem:$0x3FA2]  }
0x29: {  	s4 =	sld [smem:$0x3FA4]  }
0x2a: {  	p0 =	seq.s32 s5, $0x0;
	s5 =	sld [smem:$0x3FA5]  }
0x2b: {  	s6 =	sld [smem:$0x3FA6]  }
0x2c: {  	s7 =	sld [smem:$0x3FA7]  }
0x2d: {  	s3 =	simm.s32 $0x108;
	s8 =	sld [smem:$0x3FA8]  }
0x2e: {  	s3 =	simm.s32 @!p0 $0x1082;
	s9 =	sld [smem:$0x3FA9]  }
0x2f: {  	lr =	sadd.s32 s0, s3;
	s0 =	sld [smem:$0x3FA0]  }
0x30: {  	s3 =	sld [smem:$0x3FA3]  }
0x31: {  	[smem:$0x3FAC] =	sst s10  }
0x32: {  	s10 =	sld [smem:$0x3FAA];
	_ =	sdelay $0x3  }
0x33: {  	p0 =	seq.s32 s10, $0x1;
	s10 =	sld [smem:$0x3FAC];
	_ =	sdelay $0x3  }
0x34: {  	[smem:$0x3FAC] =	sst s10  }
0x35: {  	s10 =	sld [smem:$0x3FAB];
	_ =	sdelay $0x3  }
0x36: {  	p1 =	seq.s32 s10, $0x1;
	s10 =	sld [smem:$0x3FAC];
	_ =	sdelay $0x3  }
0x37: {  	[smem:$0x3FAC] =	sst s10  }
0x38: {  	s10 =	sld [smem:$0x3FAD]  }
0x39: {  	_ = 	snop;
	(pc) =	sbr.ind lr, $3  }
0x3a: {  	_ = 	snop  }
0x3b: {  	_ = 	snop  }
0x3c: {  	p2 =	seq.s32 s10, $0x1;
	s10 =	sld [smem:$0x3FAC]  }
0x3d: {  	_ =	shalt  }
0x3e: {  	_ =	shalt  }
0x3f: {  	_ =	shalt  }
0x40: {  	_ =	shalt  }
0x41: {  	_ =	shalt  }
0x42: {  	_ =	shalt  }
0x43: {  	_ =	shalt  }
0x44: {  	_ =	shalt  }
0x45: {  	_ =	shalt  }
0x46: {  	_ =	shalt  }
0x47: {  	_ =	shalt  }
0x48: {  	_ =	shalt  }
0x49: {  	_ =	shalt  }
0x4a: {  	_ =	shalt  }
0x4b: {  	_ =	shalt  }
0x4c: {  	_ =	shalt  }
0x4d: {  	_ =	shalt  }
0x4e: {  	_ =	shalt  }
0x4f: {  	_ =	shalt  }
0x50: {  	_ =	shalt  }
0x51: {  	_ =	shalt  }
0x52: {  	_ =	shalt  }
0x53: {  	_ =	shalt  }
0x54: {  	_ =	shalt  }
0x55: {  	_ =	shalt  }
0x56: {  	_ =	shalt  }
0x57: {  	_ =	shalt  }
0x58: {  	_ =	shalt  }
0x59: {  	_ =	shalt  }
0x5a: {  	_ =	shalt  }
0x5b: {  	_ =	shalt  }
0x5c: {  	_ =	shalt  }
0x5d: {  	_ =	shalt  }
0x5e: {  	_ =	shalt  }
0x5f: {  	_ =	shalt  }
0x60: {  	_ =	shalt  }
0x61: {  	_ =	shalt  }
0x62: {  	_ =	shalt  }
0x63: {  	_ =	shalt  }
0x64: {  	_ =	shalt  }
0x65: {  	_ =	shalt  }
0x66: {  	_ =	shalt  }
0x67: {  	_ =	shalt  }
0x68: {  	_ =	shalt  }
0x69: {  	_ =	shalt  }
0x6a: {  	_ =	shalt  }
0x6b: {  	_ =	shalt  }
0x6c: {  	_ =	shalt  }
0x6d: {  	_ =	shalt  }
0x6e: {  	_ =	shalt  }
0x6f: {  	_ =	shalt  }
0x70: {  	_ =	shalt  }
0x71: {  	_ =	shalt  }
0x72: {  	_ =	shalt  }
0x73: {  	_ =	shalt  }
0x74: {  	_ =	shalt  }
0x75: {  	_ =	shalt  }
0x76: {  	_ =	shalt  }
0x77: {  	_ =	shalt  }
0x78: {  	_ =	shalt  }
0x79: {  	_ =	shalt  }
0x7a: {  	_ =	shalt  }
0x7b: {  	_ =	shalt  }
0x7c: {  	_ =	shalt  }
0x7d: {  	_ =	shalt  }
0x7e: {  	_ =	shalt  }
0x7f: {  	_ =	shalt  }
0x80: {  	_ =	shalt  }
0x81: {  	_ =	shalt  }
0x82: {  	_ =	shalt  }
0x83: {  	_ =	shalt  }
0x84: {  	_ =	shalt  }
0x85: {  	_ =	shalt  }
0x86: {  	_ =	shalt  }
0x87: {  	_ =	shalt  }
.Lfunc_end0:
.L_simem_size_0:
called_computation.1_lowered:
.L_overlay_start_0:
0x88: {  	s2 =	sld [smem:$0x3FD9]  }
0x89: {  	s3 =	sld [smem:$0x3FFE];
	_ =	sdelay $0x1  }
0x8a: {  	s1 =	srdreg.scid  }
0x8b: {  	s0 =	sand.u32 $0x1, s1  }
0x8c: {  	s17 =	sshll.u32 s0, $0xA;
	s2 =	sadd.s32 s3, s2  }
0x8d: {  	s2 =	sadd.s32 s2, s17  }
0x8e: {  	[smem:$0x3FB8] =	sst s2  }
0x8f: {  	_ = 	snop  }
0x90: {  	s2 =	sld [smem:$0x3FC9];
	(tm) =	ssettm $0x1  }
0x91: {  	s18 =	sld [smem:$0x3FFB];
	_ =	sdelay $0x3  }
0x92: {  	_ =	strace s18  }
0x93: {  	s3 =	sld [smem:$0x3FFC];
	_ =	sdelay $0x3  }
0x94: {  	_ =	strace s3  }
0x95: {  	s3 =	sld [smem:$0x3FFD];
	_ =	sdelay $0x3  }
0x96: {  	_ =	strace s3  }
0x97: {  	_ =	strace $0x8FFFFFFF  }
0x98: {  	s19 =	sld [smem:$0x3FDB];
	_ =	sdelay $0x1  }
0x99: {  	s4 =	simm.s32 $_scs_section_size  }
0x9a: {  	s5 =	simm.s32 $_size__tile_overlayer_lowered;
	s6 =	simm.s32 $_tile_overlayer_lowered  }
0x9b: {  	s22 =	simm.s32 $0x1BFF;
	s21 =	sshll.u32 s6, $0x1;
	s3 =	sadd.s32 s4, s19  }
0x9c: {  	s7 =	simm.s32 $0x0;
	s20 =	sshll.u32 s5, $0x1;
	s5 =	sadd.s32 s21, s3  }
0x9d: {  	[timem:s7], [sflag:s22] =	dma.local [hbm:s5], s20  }
0x9e: {  	_ =	swait.ge [sflag:s22], s20  }
0x9f: {  	s4 =	ssub.s32 $0x0, s20;
	[sflag:s22] =	ssyncset.done $0x0  }
0xa0: {  	[sflag:s22] =	ssyncadd.s32 s4;
	_ =	sdelay $0x1  }
0xa1: {  	s23 =	simm.s32 $0x1B8B  }
0xa2: {  	_ =	swait.ge [sflag:s23], $0x1  }
0xa3: {  	[sflag:s23] =	ssyncset.done $0x0  }
0xa4: {  	s25 =	simm.s32 $0x1B8E;
	s24 =	sld [smem:$0x3FFE];
	[sflag:s23] =	ssyncadd.s32 $0xFFFFFFFF  }
0xa5: {  	s26 =	simm.s32 $execute0_lowered;
	[smem:$0x3FD2] =	sst s25  }
0xa6: {  	s5 =	sshll.u32 s26, $0x1;
	_ =	strace $0x80000046;
	[dreg:$0x1] =	wrdreg $0xFFFFFFFF  }
0xa7: {  	s28 =	simm.s32 $_size_execute0_lowered;
	s3 =	sadd.s32 s3, s5;
	[dreg:$0x0] =	wrdreg $0x0  }
0xa8: {  	s5 =	sshll.u32 s28, $0x1;
	[dreg:$0x2] =	wrdreg s3  }
0xa9: {  	[dreg:$0x3] =	wrdreg s5  }
0xaa: {  	[dreg:$0x4] =	wrdreg $0xC0  }
0xab: {  	_ =	task [dreg:s7], $0x5FFFF  }
0xac: {  	[dreg:$0x1] =	wrdreg $0xFFFFFFFF  }
0xad: {  	[dreg:$0x0] =	wrdreg $0x60  }
0xae: {  	[dreg:$0x2] =	wrdreg s2  }
0xaf: {  	[dreg:$0x3] =	wrdreg s24  }
0xb0: {  	[dreg:$0x4] =	wrdreg $0x41000  }
0xb1: {  	[dreg:$0x5] =	wrdreg $0xA  }
0xb2: {  	_ =	task.clear_ibuf [dreg:s7], $0x6FFFF;
	_ =	strace $0x90000046  }
0xb3: {  	s29 =	simm.s32 $0xA;
	_ =	strace $0x80000048  }
0xb4: {  	_ =	swait.ge [sflag:s29], $0x1  }
0xb5: {  	[sflag:s29] =	ssyncadd.s32 $0xFFFFFFFF  }
0xb6: {  	_ =	strace $0x90000048  }
0xb7: {  	_ =	sfence  }
0xb8: {  	s30 =	sld [smem:$0x0];
	_ =	sdelay $0x2  }
0xb9: {  	s31 =	sshll.u32 s1, $0xD;
	s1 =	sshrl.u32 s1, $0x2  }
0xba: {  	s3 =	sand.u32 $0x4000, s31;
	s1 =	sadd.s32 s1, s30  }
0xbb: {  	s0 =	sor.u32 s3, s0;
	s1 =	sshll.u32 s1, $0x11  }
0xbc: {  	s0 =	sor.u32 s1, s0  }
0xbd: {  	s0 =	sadd.s32 $0x8F2B, s0  }
0xbe: {  	[sflag:s0] =	ssyncadd.remote.s32 $0x1  }
0xbf: {  	_ =	sfence.sel $0xFFFF  }
0xc0: {  	[dreg:$0x0] =	wrdreg $0xFFFFFFFF;
	(pc) =	sbr.abs _section_cstart, $3  }
0xc1: {  	[dreg:$0x1] =	wrdreg $0xFFFFFFFF  }
0xc2: {  	_ =	task.clear_ibuf [dreg:s7], $0x2FFFF;
	_ =	strace $0x9FFFFFFF  }
0xc3: {  	(tm) =	ssettm $0x7FFFFFFF  }
tec
execute0_lowered:
.L_overlay_start_1:
0x0: {  	(tag) =	ssettag $0x1  }
0x1: {  	s0 =	rddreg [dreg:$0x0]  }
0x2: {  	s6 =	rddreg [dreg:$0x1];
	s1 =	srdreg.scid  }
0x3: {  	s3 =	rddreg [dreg:$0x2];
	s2 =	stileid.u32  }
0x4: {  	s4 =	simm.s32 $0x0;
	s14 =	simm.s32 $0x100;
	s8 =	smul.u32 $0x13C00, s2  }
0x5: {  	s15 =	simm.s32 $0x1;
	s16 =	simm.s32 $0x0;
	s9 =	smul.u32 $0xA00, s2  }
0x6: {  	s7 =	sand.u32 $0x1, s1;
	s1 =	rddreg [dreg:$0x3];
	s10 =	smul.u32 $0x4F000, s2  }
0x7: {  	[smem:$0x7FF] =	sst s4;
	s30 =	sshll.u32 s2, $0x6;
	s5 =	smul.u32 $0x13C000, s7  }
0x8: {  	_ =	strace $0x80000047;
	s29 =	ssub.s32 $0x2, s7;
	s12 =	smul.u32 $0x500, s7  }
0x9: {  	s26 =	sadd.s32 s9, s6;
	s11 =	sshrl.u32 s29, $0x1;
	s10 =	sshrl.u32 s10, $0x2  }
0xa: {  	s5 =	sadd.s32 s8, s5;
	s11 =	ssub.s32 s29, s11;
	s13 =	sadd.s32 s10, s3  }
0xb: {  	s31 =	sadd.s32 s12, s26;
	s12 =	simm.s32 $0x2;
	s28 =	sshrl.u32 s5, $0x3  }
0xc: {  	s5 =	sadd.s32 $0x19200, s6;
	s8 =	smax.u32 s11, $0x1;
	s10 =	sadd.s32 $0xF000, s31  }
0xd: {  	s11 =	sshrl.u32 s13, $0x3;
	s13 =	simm.s32 $0x80;
	s9 =	sadd.s32 s28, s6  }
0xe: {  	s6 =	sor.u32 $0x1C02, s30;
	s7 =	sadd.s32 $0x1BA00, s9;
	s9 =	sadd.s32 $0x4E00, s31  }
.LBB2_1:
0xf: {  	[spmem:s11], [sflag:s6] =	dma.local [hbm:s5], $0x2780  }
0x10: {  	_ =	swait.ge [sflag:s12], $0x2780  }
0x11: {  	[sflag:s12] =	ssyncset.done $0x0  }
0x12: {  	[sflag:s12] =	ssyncadd.s32 $0xFFFFD880  }
0x13: {  	s17 =	sadd.s32 $0x0, s10;
	[bflag:$0x0] =	sbarrier.arrive $0xFFFF  }
0x14: {  	[tilespmem:s4], [sflag:$0x2] =	stream.linear.gather [hbm4b:s17+s4], $0x80, $0x38;
	[tilespmem:$0x17D00] =	vst v63  }
0x15: {  	_ =	swait.ge [sflag:s12], $0x80  }
0x16: {  	[sflag:s12] =	ssyncset.done $0x0  }
0x17: {  	s31 =	sadd.s32 $0x0, s9;
	[sflag:s12] =	ssyncadd.s32 $0xFFFFFF80  }
0x18: {  	[tilespmem:s13], [sflag:$0x2] =	stream.linear.gather [hbm4b:s31+s4], $0x80, $0x38;
	[tilespmem:$0x17D00] =	vst v63  }
0x19: {  	_ =	swait.ge [sflag:s12], $0x80  }
0x1a: {  	[sflag:s12] =	ssyncset.done $0x0  }
0x1b: {  	[sflag:s12] =	ssyncadd.s32 $0xFFFFFF80  }
0x1c: {  	[tilespmem:s14], [sflag:$0x1] =	stream.indirect.gather [hbm4b:s0+s13], $0x80, s4, s13, $0xb8;
	[tilespmem:$0x17D00] =	vst v63  }
0x1d: {  	_ =	swait.ge [sflag:s15], $0x4000  }
0x1e: {  	[sflag:s15] =	ssyncset.done $0x0  }
0x1f: {  	[sflag:s15] =	ssyncadd.s32 $0xFFFFC000  }
0x20: {  	[spmem:s3] =	stream.indirect.scatter.add.f32 [tilespmem:s14], [sflag:$0x2], $0x80, s13, s13, $0xb8;
	[tilespmem:$0x17D00] =	vst v63  }
0x21: {  	_ =	swait.ge [sflag:s12], $0x4000  }
0x22: {  	s18 =	simm.s32 $0x20;
	s17 =	simm.s32 $0x10;
	[sflag:s12] =	ssyncset.done $0x0  }
.LBB2_2:
0x23: {  	s19 =	sadd.s32 s17, s10  }
0x24: {  	[sflag:s12] =	ssyncadd.s32 $0xFFFFC000;
	s20 =	smov.u32 s18;
	s21 =	sadd.s32 $0x10, s18  }
0x25: {  	[tilespmem:s4], [sflag:$0x2] =	stream.linear.gather [hbm4b:s19+s4], $0x80, $0x38;
	[tilespmem:$0x17D00] =	vst v63  }
0x26: {  	p0 =	sne.s32 s18, $0x4F0;
	_ =	swait.ge [sflag:s12], $0x80  }
0x27: {  	[sflag:s12] =	ssyncset.done $0x0  }
0x28: {  	s18 =	sadd.s32 s17, s9;
	s17 =	smov.u32 s20;
	[sflag:s12] =	ssyncadd.s32 $0xFFFFFF80  }
0x29: {  	[tilespmem:s13], [sflag:$0x2] =	stream.linear.gather [hbm4b:s18+s4], $0x80, $0x38;
	[tilespmem:$0x17D00] =	vst v63  }
0x2a: {  	_ =	swait.ge [sflag:s12], $0x80  }
0x2b: {  	[sflag:s12] =	ssyncset.done $0x0  }
0x2c: {  	[sflag:s12] =	ssyncadd.s32 $0xFFFFFF80  }
0x2d: {  	[tilespmem:s14], [sflag:$0x1] =	stream.indirect.gather [hbm4b:s0+s13], $0x80, s4, s13, $0xb8;
	[tilespmem:$0x17D00] =	vst v63  }
0x2e: {  	_ =	swait.ge [sflag:s15], $0x4000  }
.Ltmp0:
0x2f: {  	[sflag:s15] =	ssyncset.done $0x0;
	(pc) =	sbr.rel @p0 .LBB2_2-.Ltmp0, $4  }
0x30: {  	[sflag:s15] =	ssyncadd.s32 $0xFFFFC000  }
0x31: {  	[spmem:s3] =	stream.indirect.scatter.add.f32 [tilespmem:s14], [sflag:$0x2], $0x80, s13, s13, $0xb8;
	[tilespmem:$0x17D00] =	vst v63  }
0x32: {  	_ =	swait.ge [sflag:s12], $0x4000  }
0x33: {  	s18 =	smov.u32 s21;
	[sflag:s12] =	ssyncset.done $0x0  }
0x34: {  	s18 =	sadd.s32 s17, s10;
	[sflag:s12] =	ssyncadd.s32 $0xFFFFC000  }
0x35: {  	[tilespmem:s4], [sflag:$0x2] =	stream.linear.gather [hbm4b:s18+s4], $0x80, $0x38;
	[tilespmem:$0x17D00] =	vst v63  }
0x36: {  	_ =	swait.ge [sflag:s12], $0x80  }
0x37: {  	[sflag:s12] =	ssyncset.done $0x0  }
0x38: {  	s31 =	sadd.s32 s17, s9;
	[sflag:s12] =	ssyncadd.s32 $0xFFFFFF80  }
0x39: {  	[tilespmem:s13], [sflag:$0x2] =	stream.linear.gather [hbm4b:s31+s4], $0x80, $0x38;
	[tilespmem:$0x17D00] =	vst v63  }
0x3a: {  	_ =	swait.ge [sflag:s12], $0x80  }
0x3b: {  	[sflag:s12] =	ssyncset.done $0x0  }
0x3c: {  	[sflag:s12] =	ssyncadd.s32 $0xFFFFFF80  }
0x3d: {  	[tilespmem:s14], [sflag:$0x1] =	stream.indirect.gather [hbm4b:s0+s13], $0x80, s4, s13, $0xb8;
	[tilespmem:$0x17D00] =	vst v63  }
0x3e: {  	_ =	swait.ge [sflag:s15], $0x4000  }
0x3f: {  	[sflag:s15] =	ssyncset.done $0x0  }
0x40: {  	[sflag:s15] =	ssyncadd.s32 $0xFFFFC000  }
0x41: {  	[spmem:s3] =	stream.indirect.scatter.add.f32 [tilespmem:s14], [sflag:$0x2], $0x80, s13, s13, $0xb8;
	[tilespmem:$0x17D00] =	vst v63  }
0x42: {  	_ =	swait.ge [sflag:s12], $0x4000  }
0x43: {  	s16 =	sadd.s32 $0x1, s16;
	[sflag:s12] =	ssyncset.done $0x0  }
0x44: {  	p0 =	sne.s32 s16, s8;
	[sflag:s12] =	ssyncadd.s32 $0xFFFFC000  }
.Ltmp1:
0x45: {  	[bflag:$0x0] =	sbarrier.arrive $0xFFFF;
	(pc) =	sbr.rel @p0 .LBB2_1-.Ltmp1, $4  }
0x46: {  	[hbm:s7], [sflag:s6] =	dma.local [spmem:s11], $0x2780  }
0x47: {  	_ =	swait.ge [sflag:s12], $0x2780  }
0x48: {  	[sflag:s12] =	ssyncset.done $0x0  }
0x49: {  	[sflag:s12] =	ssyncadd.s32 $0xFFFFD880  }
0x4a: {  	_ =	sfence.sel $0x180000  }
0x4b: {  	[bflag:$0x0] =	sbarrier.arrive $0xFFFF  }
0x4c: {  	p0 =	sne.s32 s2, $0x0;
	_ =	strace $0x90000047  }
0x4d: {  	s0 =	sadd.s32 @!p0 $0x100000, s1;
	[bflag:$0x2] =	sbarrier.arrive $0xFFFF  }
0x4e: {  	[sflag:s0] =	ssyncadd.tile.s32 @!p0 $0x1;
	_ =	shalt  }
.Lfunc_end2:
_tile_overlayer_lowered:
.L_overlay_start_2:
0x4f: {  	(tag) =	ssettag $0x2  }
0x50: {  	s0 =	rddreg [dreg:$0x0];
	s2 =	stileid.u32  }
0x51: {  	s1 =	rddreg [dreg:$0x1];
	p0 =	sne.s32 s2, $0x0  }
0x52: {  	s3 =	rddreg [dreg:$0x2];
	[bflag:$0x3] =	sbarrier.arrive $0xFFFF;
	s2 =	simm.s32 @!p0 $0x1C02  }
0x53: {  	[timem:s3], [sflag:s2] =	dma.local @!p0 [hbm:s0], s1  }
0x54: {  	s0 =	simm.s32 @!p0 $0x2  }
0x55: {  	_ =	swait.ge @!p0 [sflag:s0], s1  }
0x56: {  	s1 =	ssub.s32 @!p0 $0x0, s1;
	[sflag:s0] =	ssyncset.done @!p0 $0x0  }
0x57: {  	[sflag:s0] =	ssyncadd.s32 @!p0 s1  }
0x58: {  	[bflag:$0x3] =	sbarrier.arrive $0xFFFF  }
0x59: {  	_ =	shalt  }

// kernel: kernel.17.cloned.1.call-start
scs
__scs_entry_jumppad:
0x0: {  	(pc) =	sbr.rel $0x88, $3  }
0x1: {  	(tag) =	ssettag $0x0;
	lr =	simm.s32 $0x1  }
0x2: {  	[smem:$0x3F91] =	sst lr;
	_ =	strace $0xD0000000  }
0x3: {  	_ = 	snop  }
0x4: {  	_ = 	snop  }
0x5: {  	_ = 	snop  }
0x6: {  	_ = 	snop  }
0x7: {  	_ = 	snop  }
__scs_overlays_trampoline_lowered:
0x8: {  	[smem:$0x3FA0] =	sst s0  }
0x9: {  	[smem:$0x3FA1] =	sst s1  }
0xa: {  	[smem:$0x3FA2] =	sst s2  }
0xb: {  	[smem:$0x3FA3] =	sst s3  }
0xc: {  	[smem:$0x3FA4] =	sst s4  }
0xd: {  	[smem:$0x3FA5] =	sst s5  }
0xe: {  	[smem:$0x3FA6] =	sst s6  }
0xf: {  	[smem:$0x3FA7] =	sst s7  }
0x10: {  	[smem:$0x3FA8] =	sst s8  }
0x11: {  	[smem:$0x3FA9] =	sst s9;
	s0 =	simm.s32 @!p0 $0x0  }
0x12: {  	s1 =	sld [smem:$0x3F8F];
	s0 =	simm.s32 @p0 $0x1  }
0x13: {  	[smem:$0x3FAA] =	sst s0;
	s0 =	simm.s32 @!p1 $0x0  }
0x14: {  	s2 =	sld [smem:$0x3F8E];
	s0 =	simm.s32 @p1 $0x1  }
0x15: {  	[smem:$0x3FAB] =	sst s0;
	s0 =	simm.s32 @!p2 $0x0  }
0x16: {  	s3 =	sld [smem:$0x3FDB];
	s0 =	simm.s32 @p2 $0x1  }
0x17: {  	s4 =	simm.s32 $0x1BF5;
	[smem:$0x3FAD] =	sst s0  }
0x18: {  	s0 =	sld [smem:$0x3F90];
	_ =	swait.ge [sflag:s4], $0x0  }
0x19: {  	s7 =	sld [smem:$0x3F91]  }
0x1a: {  	s8 =	sadd.s32 $0xFFFFE003, lr  }
0x1b: {  	s9 =	sadd.s32 $0xFFFFFEF7, lr;
	s5 =	simm.s32 $0xFFFFFFFF;
	p2 =	slt.u32 s8, $0xFFFFF086  }
0x1c: {  	p1 =	slt.u32 s9, $0xF7A;
	s5 =	simm.s32 @!p2 $0x0  }
0x1d: {  	s5 =	simm.s32 @p1 $0x1;
	p0 =	seq.s32 s7, s2  }
0x1e: {  	s7 =	smul.u32 @!p0 $0xF7A, s2;
	p2 =	seq.s32 @!p0 s5, $0x0  }
0x1f: {  	s9 =	smul.u32 $0xF7A, s1;
	s8 =	simm.s32 @!p0 $0x1BF5;
	p2 =	por !p2, p0  }
0x20: {  	[sflag:s8] =	ssyncset.s32 @!p0 $0xFFFFF086;
	s6 =	sadd.s32 @!p0 s3, s7;
	s7 =	simm.s32 @!p0 $0x108  }
0x21: {  	s3 =	sadd.s32 s3, s9;
	s6 =	sadd.s32 @!p0 $0x88, s6;
	s7 =	simm.s32 @p2 $0x1082  }
0x22: {  	[simem:s7], [sflag:s8] =	dma.local @!p0 [hbm:s6], $0xF7A  }
0x23: {  	s9 =	sor.u32 $0xD0000000, s2;
	s6 =	simm.s32 $0x108;
	_ =	swait.ge @!p0 [sflag:s8], $0x0  }
0x24: {  	s3 =	sadd.s32 $0x88, s3;
	s6 =	simm.s32 @!p1 $0x1082;
	[sflag:s4] =	ssyncset.s32 $0xFFFFF086  }
0x25: {  	[simem:s6], [sflag:s4] =	dma.local [hbm:s3], $0xF7A  }
0x26: {  	[smem:$0x3F91] =	sst s1;
	(tag) =	ssettag s2;
	_ =	strace s9  }
0x27: {  	s1 =	sld [smem:$0x3FA1]  }
0x28: {  	s2 =	sld [smem:$0x3FA2]  }
0x29: {  	s4 =	sld [smem:$0x3FA4]  }
0x2a: {  	p0 =	seq.s32 s5, $0x0;
	s5 =	sld [smem:$0x3FA5]  }
0x2b: {  	s6 =	sld [smem:$0x3FA6]  }
0x2c: {  	s7 =	sld [smem:$0x3FA7]  }
0x2d: {  	s3 =	simm.s32 $0x108;
	s8 =	sld [smem:$0x3FA8]  }
0x2e: {  	s3 =	simm.s32 @!p0 $0x1082;
	s9 =	sld [smem:$0x3FA9]  }
0x2f: {  	lr =	sadd.s32 s0, s3;
	s0 =	sld [smem:$0x3FA0]  }
0x30: {  	s3 =	sld [smem:$0x3FA3]  }
0x31: {  	[smem:$0x3FAC] =	sst s10  }
0x32: {  	s10 =	sld [smem:$0x3FAA];
	_ =	sdelay $0x3  }
0x33: {  	p0 =	seq.s32 s10, $0x1;
	s10 =	sld [smem:$0x3FAC];
	_ =	sdelay $0x3  }
0x34: {  	[smem:$0x3FAC] =	sst s10  }
0x35: {  	s10 =	sld [smem:$0x3FAB];
	_ =	sdelay $0x3  }
0x36: {  	p1 =	seq.s32 s10, $0x1;
	s10 =	sld [smem:$0x3FAC];
	_ =	sdelay $0x3  }
0x37: {  	[smem:$0x3FAC] =	sst s10  }
0x38: {  	s10 =	sld [smem:$0x3FAD]  }
0x39: {  	_ = 	snop;
	(pc) =	sbr.ind lr, $3  }
0x3a: {  	_ = 	snop  }
0x3b: {  	_ = 	snop  }
0x3c: {  	p2 =	seq.s32 s10, $0x1;
	s10 =	sld [smem:$0x3FAC]  }
0x3d: {  	_ =	shalt  }
0x3e: {  	_ =	shalt  }
0x3f: {  	_ =	shalt  }
0x40: {  	_ =	shalt  }
0x41: {  	_ =	shalt  }
0x42: {  	_ =	shalt  }
0x43: {  	_ =	shalt  }
0x44: {  	_ =	shalt  }
0x45: {  	_ =	shalt  }
0x46: {  	_ =	shalt  }
0x47: {  	_ =	shalt  }
0x48: {  	_ =	shalt  }
0x49: {  	_ =	shalt  }
0x4a: {  	_ =	shalt  }
0x4b: {  	_ =	shalt  }
0x4c: {  	_ =	shalt  }
0x4d: {  	_ =	shalt  }
0x4e: {  	_ =	shalt  }
0x4f: {  	_ =	shalt  }
0x50: {  	_ =	shalt  }
0x51: {  	_ =	shalt  }
0x52: {  	_ =	shalt  }
0x53: {  	_ =	shalt  }
0x54: {  	_ =	shalt  }
0x55: {  	_ =	shalt  }
0x56: {  	_ =	shalt  }
0x57: {  	_ =	shalt  }
0x58: {  	_ =	shalt  }
0x59: {  	_ =	shalt  }
0x5a: {  	_ =	shalt  }
0x5b: {  	_ =	shalt  }
0x5c: {  	_ =	shalt  }
0x5d: {  	_ =	shalt  }
0x5e: {  	_ =	shalt  }
0x5f: {  	_ =	shalt  }
0x60: {  	_ =	shalt  }
0x61: {  	_ =	shalt  }
0x62: {  	_ =	shalt  }
0x63: {  	_ =	shalt  }
0x64: {  	_ =	shalt  }
0x65: {  	_ =	shalt  }
0x66: {  	_ =	shalt  }
0x67: {  	_ =	shalt  }
0x68: {  	_ =	shalt  }
0x69: {  	_ =	shalt  }
0x6a: {  	_ =	shalt  }
0x6b: {  	_ =	shalt  }
0x6c: {  	_ =	shalt  }
0x6d: {  	_ =	shalt  }
0x6e: {  	_ =	shalt  }
0x6f: {  	_ =	shalt  }
0x70: {  	_ =	shalt  }
0x71: {  	_ =	shalt  }
0x72: {  	_ =	shalt  }
0x73: {  	_ =	shalt  }
0x74: {  	_ =	shalt  }
0x75: {  	_ =	shalt  }
0x76: {  	_ =	shalt  }
0x77: {  	_ =	shalt  }
0x78: {  	_ =	shalt  }
0x79: {  	_ =	shalt  }
0x7a: {  	_ =	shalt  }
0x7b: {  	_ =	shalt  }
0x7c: {  	_ =	shalt  }
0x7d: {  	_ =	shalt  }
0x7e: {  	_ =	shalt  }
0x7f: {  	_ =	shalt  }
0x80: {  	_ =	shalt  }
0x81: {  	_ =	shalt  }
0x82: {  	_ =	shalt  }
0x83: {  	_ =	shalt  }
0x84: {  	_ =	shalt  }
0x85: {  	_ =	shalt  }
0x86: {  	_ =	shalt  }
0x87: {  	_ =	shalt  }
.Lfunc_end0:
.L_simem_size_0:
called_computation.2_lowered:
.L_overlay_start_0:
0x88: {  	s2 =	sld [smem:$0x3FD9]  }
0x89: {  	s3 =	sld [smem:$0x3FFE];
	_ =	sdelay $0x1  }
0x8a: {  	s1 =	srdreg.scid  }
0x8b: {  	s0 =	sand.u32 $0x1, s1  }
0x8c: {  	s16 =	sshll.u32 s0, $0xA;
	s2 =	sadd.s32 s3, s2  }
0x8d: {  	s2 =	sadd.s32 s2, s16  }
0x8e: {  	[smem:$0x3FB8] =	sst s2  }
0x8f: {  	_ = 	snop  }
0x90: {  	(tm) =	ssettm $0x1  }
0x91: {  	s17 =	sld [smem:$0x3FFB];
	_ =	sdelay $0x3  }
0x92: {  	_ =	strace s17  }
0x93: {  	s2 =	sld [smem:$0x3FFC];
	_ =	sdelay $0x3  }
0x94: {  	_ =	strace s2  }
0x95: {  	s2 =	sld [smem:$0x3FFD];
	_ =	sdelay $0x3  }
0x96: {  	_ =	strace s2  }
0x97: {  	_ =	strace $0x8FFFFFFF  }
0x98: {  	s18 =	sld [smem:$0x3FDB];
	_ =	sdelay $0x1  }
0x99: {  	s19 =	simm.s32 $_scs_section_size  }
0x9a: {  	s4 =	simm.s32 $_size__tile_overlayer_lowered;
	s5 =	simm.s32 $_tile_overlayer_lowered  }
0x9b: {  	s22 =	simm.s32 $0x1BFF;
	s21 =	sshll.u32 s5, $0x1;
	s2 =	sadd.s32 s19, s18  }
0x9c: {  	s6 =	simm.s32 $0x0;
	s20 =	sshll.u32 s4, $0x1;
	s4 =	sadd.s32 s21, s2  }
0x9d: {  	[timem:s6], [sflag:s22] =	dma.local [hbm:s4], s20  }
0x9e: {  	_ =	swait.ge [sflag:s22], s20  }
0x9f: {  	s3 =	ssub.s32 $0x0, s20;
	[sflag:s22] =	ssyncset.done $0x0  }
0xa0: {  	[sflag:s22] =	ssyncadd.s32 s3;
	_ =	sdelay $0x1  }
0xa1: {  	s23 =	simm.s32 $0x1B8B  }
0xa2: {  	_ =	swait.ge [sflag:s23], $0x1  }
0xa3: {  	[sflag:s23] =	ssyncset.done $0x0  }
0xa4: {  	s25 =	simm.s32 $0x1B8E;
	s24 =	sld [smem:$0x3FFE];
	[sflag:s23] =	ssyncadd.s32 $0xFFFFFFFF  }
0xa5: {  	s26 =	simm.s32 $execute0_lowered;
	[smem:$0x3FD2] =	sst s25  }
0xa6: {  	s4 =	sshll.u32 s26, $0x1;
	_ =	strace $0x8000004C;
	[dreg:$0x1] =	wrdreg $0xFFFFFFFF  }
0xa7: {  	s28 =	simm.s32 $_size_execute0_lowered;
	s2 =	sadd.s32 s2, s4;
	[dreg:$0x0] =	wrdreg $0x0  }
0xa8: {  	s4 =	sshll.u32 s28, $0x1;
	[dreg:$0x2] =	wrdreg s2  }
0xa9: {  	[dreg:$0x3] =	wrdreg s4  }
0xaa: {  	[dreg:$0x4] =	wrdreg $0xC0  }
0xab: {  	_ =	task [dreg:s6], $0x5FFFF  }
0xac: {  	[dreg:$0x1] =	wrdreg $0xFFFFFFFF  }
0xad: {  	[dreg:$0x0] =	wrdreg $0x60  }
0xae: {  	[dreg:$0x2] =	wrdreg s24  }
0xaf: {  	[dreg:$0x3] =	wrdreg $0x41000  }
0xb0: {  	[dreg:$0x4] =	wrdreg $0x9  }
0xb1: {  	_ =	task.clear_ibuf [dreg:s6], $0x5FFFF;
	_ =	strace $0x9000004C  }
0xb2: {  	s29 =	simm.s32 $0x9;
	_ =	strace $0x8000004E  }
0xb3: {  	_ =	swait.ge [sflag:s29], $0x1  }
0xb4: {  	[sflag:s29] =	ssyncadd.s32 $0xFFFFFFFF  }
0xb5: {  	_ =	strace $0x9000004E  }
0xb6: {  	_ =	sfence  }
0xb7: {  	s30 =	sld [smem:$0x0];
	_ =	sdelay $0x2  }
0xb8: {  	s31 =	sshll.u32 s1, $0xD;
	s1 =	sshrl.u32 s1, $0x2  }
0xb9: {  	s3 =	sand.u32 $0x4000, s31;
	s1 =	sadd.s32 s1, s30  }
0xba: {  	s0 =	sor.u32 s3, s0;
	s1 =	sshll.u32 s1, $0x11  }
0xbb: {  	s0 =	sor.u32 s1, s0  }
0xbc: {  	s0 =	sadd.s32 $0x8F2B, s0  }
0xbd: {  	[sflag:s0] =	ssyncadd.remote.s32 $0x1  }
0xbe: {  	_ =	sfence.sel $0xFFFF  }
0xbf: {  	[dreg:$0x0] =	wrdreg $0xFFFFFFFF;
	(pc) =	sbr.abs _section_cstart, $3  }
0xc0: {  	[dreg:$0x1] =	wrdreg $0xFFFFFFFF  }
0xc1: {  	_ =	task.clear_ibuf [dreg:s6], $0x2FFFF;
	_ =	strace $0x9FFFFFFF  }
0xc2: {  	(tm) =	ssettm $0x7FFFFFFF  }
0xc3: {  	_ =	shalt  }
tec
execute0_lowered:
.L_overlay_start_1:
0x0: {  	(tag) =	ssettag $0x1  }
0x1: {  	s6 =	rddreg [dreg:$0x0];
	s0 =	srdreg.scid  }
0x2: {  	s2 =	rddreg [dreg:$0x1];
	s1 =	stileid.u32;
	s3 =	simm.s32 $0x0  }
0x3: {  	s14 =	simm.s32 $0x100;
	s15 =	simm.s32 $0x1;
	s8 =	smul.u32 $0x13C00, s1  }
0x4: {  	s7 =	sand.u32 $0x1, s0;
	s0 =	rddreg [dreg:$0x2];
	s9 =	smul.u32 $0xA00, s1  }
0x5: {  	s16 =	simm.s32 $0x0;
	[smem:$0x7FF] =	sst s3;
	s10 =	smul.u32 $0x4F000, s1  }
0x6: {  	s4 =	sadd.s32 $0x69C00, s6;
	s30 =	sshll.u32 s1, $0x6;
	s5 =	smul.u32 $0x13C000, s7  }
0x7: {  	_ =	strace $0x8000004D;
	s29 =	ssub.s32 $0x2, s7;
	s12 =	smul.u32 $0x500, s7  }
0x8: {  	s26 =	sadd.s32 s9, s6;
	s11 =	sshrl.u32 s29, $0x1;
	s10 =	sshrl.u32 s10, $0x2  }
0x9: {  	s5 =	sadd.s32 s8, s5;
	s11 =	ssub.s32 s29, s11;
	s13 =	sadd.s32 s10, s2  }
0xa: {  	s31 =	sadd.s32 s12, s26;
	s12 =	simm.s32 $0x2;
	s28 =	sshrl.u32 s5, $0x3  }
0xb: {  	s5 =	sadd.s32 $0x19200, s6;
	s8 =	smax.u32 s11, $0x1;
	s10 =	sadd.s32 $0xF000, s31  }
0xc: {  	s11 =	sshrl.u32 s13, $0x3;
	s13 =	simm.s32 $0x80;
	s9 =	sadd.s32 s28, s6  }
0xd: {  	s6 =	sor.u32 $0x1C02, s30;
	s7 =	sadd.s32 $0x90E00, s9;
	s9 =	sadd.s32 $0x4E00, s31  }
.LBB2_1:
0xe: {  	[spmem:s11], [sflag:s6] =	dma.local [hbm:s5], $0x2780  }
0xf: {  	_ =	swait.ge [sflag:s12], $0x2780  }
0x10: {  	[sflag:s12] =	ssyncset.done $0x0  }
0x11: {  	[sflag:s12] =	ssyncadd.s32 $0xFFFFD880  }
0x12: {  	s17 =	sadd.s32 $0x0, s10;
	[bflag:$0x0] =	sbarrier.arrive $0xFFFF  }
0x13: {  	[tilespmem:s3], [sflag:$0x2] =	stream.linear.gather [hbm4b:s17+s3], $0x80, $0x38;
	[tilespmem:$0x17D00] =	vst v63  }
0x14: {  	_ =	swait.ge [sflag:s12], $0x80  }
0x15: {  	[sflag:s12] =	ssyncset.done $0x0  }
0x16: {  	s31 =	sadd.s32 $0x0, s9;
	[sflag:s12] =	ssyncadd.s32 $0xFFFFFF80  }
0x17: {  	[tilespmem:s13], [sflag:$0x2] =	stream.linear.gather [hbm4b:s31+s3], $0x80, $0x38;
	[tilespmem:$0x17D00] =	vst v63  }
0x18: {  	_ =	swait.ge [sflag:s12], $0x80  }
0x19: {  	[sflag:s12] =	ssyncset.done $0x0  }
0x1a: {  	[sflag:s12] =	ssyncadd.s32 $0xFFFFFF80  }
0x1b: {  	[tilespmem:s14], [sflag:$0x1] =	stream.indirect.gather [hbm4b:s4+s13], $0x80, s3, s13, $0xb8;
	[tilespmem:$0x17D00] =	vst v63  }
0x1c: {  	_ =	swait.ge [sflag:s15], $0x4000  }
0x1d: {  	[sflag:s15] =	ssyncset.done $0x0  }
0x1e: {  	[sflag:s15] =	ssyncadd.s32 $0xFFFFC000  }
0x1f: {  	[spmem:s2] =	stream.indirect.scatter.add.f32 [tilespmem:s14], [sflag:$0x2], $0x80, s13, s13, $0xb8;
	[tilespmem:$0x17D00] =	vst v63  }
0x20: {  	_ =	swait.ge [sflag:s12], $0x4000  }
0x21: {  	s18 =	simm.s32 $0x20;
	s17 =	simm.s32 $0x10;
	[sflag:s12] =	ssyncset.done $0x0  }
.LBB2_2:
0x22: {  	s19 =	sadd.s32 s17, s10  }
0x23: {  	[sflag:s12] =	ssyncadd.s32 $0xFFFFC000;
	s20 =	smov.u32 s18;
	s21 =	sadd.s32 $0x10, s18  }
0x24: {  	[tilespmem:s3], [sflag:$0x2] =	stream.linear.gather [hbm4b:s19+s3], $0x80, $0x38;
	[tilespmem:$0x17D00] =	vst v63  }
0x25: {  	p0 =	sne.s32 s18, $0x4F0;
	_ =	swait.ge [sflag:s12], $0x80  }
0x26: {  	[sflag:s12] =	ssyncset.done $0x0  }
0x27: {  	s18 =	sadd.s32 s17, s9;
	s17 =	smov.u32 s20;
	[sflag:s12] =	ssyncadd.s32 $0xFFFFFF80  }
0x28: {  	[tilespmem:s13], [sflag:$0x2] =	stream.linear.gather [hbm4b:s18+s3], $0x80, $0x38;
	[tilespmem:$0x17D00] =	vst v63  }
0x29: {  	_ =	swait.ge [sflag:s12], $0x80  }
0x2a: {  	[sflag:s12] =	ssyncset.done $0x0  }
0x2b: {  	[sflag:s12] =	ssyncadd.s32 $0xFFFFFF80  }
0x2c: {  	[tilespmem:s14], [sflag:$0x1] =	stream.indirect.gather [hbm4b:s4+s13], $0x80, s3, s13, $0xb8;
	[tilespmem:$0x17D00] =	vst v63  }
0x2d: {  	_ =	swait.ge [sflag:s15], $0x4000  }
.Ltmp0:
0x2e: {  	[sflag:s15] =	ssyncset.done $0x0;
	(pc) =	sbr.rel @p0 .LBB2_2-.Ltmp0, $4  }
0x2f: {  	[sflag:s15] =	ssyncadd.s32 $0xFFFFC000  }
0x30: {  	[spmem:s2] =	stream.indirect.scatter.add.f32 [tilespmem:s14], [sflag:$0x2], $0x80, s13, s13, $0xb8;
	[tilespmem:$0x17D00] =	vst v63  }
0x31: {  	_ =	swait.ge [sflag:s12], $0x4000  }
0x32: {  	s18 =	smov.u32 s21;
	[sflag:s12] =	ssyncset.done $0x0  }
0x33: {  	s18 =	sadd.s32 s17, s10;
	[sflag:s12] =	ssyncadd.s32 $0xFFFFC000  }
0x34: {  	[tilespmem:s3], [sflag:$0x2] =	stream.linear.gather [hbm4b:s18+s3], $0x80, $0x38;
	[tilespmem:$0x17D00] =	vst v63  }
0x35: {  	_ =	swait.ge [sflag:s12], $0x80  }
0x36: {  	[sflag:s12] =	ssyncset.done $0x0  }
0x37: {  	s31 =	sadd.s32 s17, s9;
	[sflag:s12] =	ssyncadd.s32 $0xFFFFFF80  }
0x38: {  	[tilespmem:s13], [sflag:$0x2] =	stream.linear.gather [hbm4b:s31+s3], $0x80, $0x38;
	[tilespmem:$0x17D00] =	vst v63  }
0x39: {  	_ =	swait.ge [sflag:s12], $0x80  }
0x3a: {  	[sflag:s12] =	ssyncset.done $0x0  }
0x3b: {  	[sflag:s12] =	ssyncadd.s32 $0xFFFFFF80  }
0x3c: {  	[tilespmem:s14], [sflag:$0x1] =	stream.indirect.gather [hbm4b:s4+s13], $0x80, s3, s13, $0xb8;
	[tilespmem:$0x17D00] =	vst v63  }
0x3d: {  	_ =	swait.ge [sflag:s15], $0x4000  }
0x3e: {  	[sflag:s15] =	ssyncset.done $0x0  }
0x3f: {  	[sflag:s15] =	ssyncadd.s32 $0xFFFFC000  }
0x40: {  	[spmem:s2] =	stream.indirect.scatter.add.f32 [tilespmem:s14], [sflag:$0x2], $0x80, s13, s13, $0xb8;
	[tilespmem:$0x17D00] =	vst v63  }
0x41: {  	_ =	swait.ge [sflag:s12], $0x4000  }
0x42: {  	s16 =	sadd.s32 $0x1, s16;
	[sflag:s12] =	ssyncset.done $0x0  }
0x43: {  	p0 =	sne.s32 s16, s8;
	[sflag:s12] =	ssyncadd.s32 $0xFFFFC000  }
.Ltmp1:
0x44: {  	[bflag:$0x0] =	sbarrier.arrive $0xFFFF;
	(pc) =	sbr.rel @p0 .LBB2_1-.Ltmp1, $4  }
0x45: {  	[hbm:s7], [sflag:s6] =	dma.local [spmem:s11], $0x2780  }
0x46: {  	_ =	swait.ge [sflag:s12], $0x2780  }
0x47: {  	[sflag:s12] =	ssyncset.done $0x0  }
0x48: {  	[sflag:s12] =	ssyncadd.s32 $0xFFFFD880  }
0x49: {  	_ =	sfence.sel $0x180000  }
0x4a: {  	[bflag:$0x0] =	sbarrier.arrive $0xFFFF  }
0x4b: {  	p0 =	sne.s32 s1, $0x0;
	_ =	strace $0x9000004D  }
0x4c: {  	s0 =	sadd.s32 @!p0 $0x100000, s0;
	[bflag:$0x2] =	sbarrier.arrive $0xFFFF  }
0x4d: {  	[sflag:s0] =	ssyncadd.tile.s32 @!p0 $0x1;
	_ =	shalt  }
.Lfunc_end2:
_tile_overlayer_lowered:
.L_overlay_start_2:
0x4e: {  	(tag) =	ssettag $0x2  }
0x4f: {  	s0 =	rddreg [dreg:$0x0];
	s2 =	stileid.u32  }
0x50: {  	s1 =	rddreg [dreg:$0x1];
	p0 =	sne.s32 s2, $0x0  }
0x51: {  	s3 =	rddreg [dreg:$0x2];
	[bflag:$0x3] =	sbarrier.arrive $0xFFFF;
	s2 =	simm.s32 @!p0 $0x1C02  }
0x52: {  	[timem:s3], [sflag:s2] =	dma.local @!p0 [hbm:s0], s1  }
0x53: {  	s0 =	simm.s32 @!p0 $0x2  }
0x54: {  	_ =	swait.ge @!p0 [sflag:s0], s1  }
0x55: {  	s1 =	ssub.s32 @!p0 $0x0, s1;
	[sflag:s0] =	ssyncset.done @!p0 $0x0  }
0x56: {  	[sflag:s0] =	ssyncadd.s32 @!p0 s1  }
0x57: {  	[bflag:$0x3] =	sbarrier.arrive $0xFFFF  }
0x58: {  	_ =	shalt  }

// kernel: kernel.20.cloned.1.call-start
scs
__scs_entry_jumppad:
0x0: {  	(pc) =	sbr.rel $0x88, $3  }
0x1: {  	(tag) =	ssettag $0x0;
	lr =	simm.s32 $0x1  }
0x2: {  	[smem:$0x3F91] =	sst lr;
	_ =	strace $0xD0000000  }
0x3: {  	_ = 	snop  }
0x4: {  	_ = 	snop  }
0x5: {  	_ = 	snop  }
0x6: {  	_ = 	snop  }
0x7: {  	_ = 	snop  }
__scs_overlays_trampoline_lowered:
0x8: {  	[smem:$0x3FA0] =	sst s0  }
0x9: {  	[smem:$0x3FA1] =	sst s1  }
0xa: {  	[smem:$0x3FA2] =	sst s2  }
0xb: {  	[smem:$0x3FA3] =	sst s3  }
0xc: {  	[smem:$0x3FA4] =	sst s4  }
0xd: {  	[smem:$0x3FA5] =	sst s5  }
0xe: {  	[smem:$0x3FA6] =	sst s6  }
0xf: {  	[smem:$0x3FA7] =	sst s7  }
0x10: {  	[smem:$0x3FA8] =	sst s8  }
0x11: {  	[smem:$0x3FA9] =	sst s9;
	s0 =	simm.s32 @!p0 $0x0  }
0x12: {  	s1 =	sld [smem:$0x3F8F];
	s0 =	simm.s32 @p0 $0x1  }
0x13: {  	[smem:$0x3FAA] =	sst s0;
	s0 =	simm.s32 @!p1 $0x0  }
0x14: {  	s2 =	sld [smem:$0x3F8E];
	s0 =	simm.s32 @p1 $0x1  }
0x15: {  	[smem:$0x3FAB] =	sst s0;
	s0 =	simm.s32 @!p2 $0x0  }
0x16: {  	s3 =	sld [smem:$0x3FDB];
	s0 =	simm.s32 @p2 $0x1  }
0x17: {  	s4 =	simm.s32 $0x1BF5;
	[smem:$0x3FAD] =	sst s0  }
0x18: {  	s0 =	sld [smem:$0x3F90];
	_ =	swait.ge [sflag:s4], $0x0  }
0x19: {  	s7 =	sld [smem:$0x3F91]  }
0x1a: {  	s8 =	sadd.s32 $0xFFFFE003, lr  }
0x1b: {  	s9 =	sadd.s32 $0xFFFFFEF7, lr;
	s5 =	simm.s32 $0xFFFFFFFF;
	p2 =	slt.u32 s8, $0xFFFFF086  }
0x1c: {  	p1 =	slt.u32 s9, $0xF7A;
	s5 =	simm.s32 @!p2 $0x0  }
0x1d: {  	s5 =	simm.s32 @p1 $0x1;
	p0 =	seq.s32 s7, s2  }
0x1e: {  	s7 =	smul.u32 @!p0 $0xF7A, s2;
	p2 =	seq.s32 @!p0 s5, $0x0  }
0x1f: {  	s9 =	smul.u32 $0xF7A, s1;
	s8 =	simm.s32 @!p0 $0x1BF5;
	p2 =	por !p2, p0  }
0x20: {  	[sflag:s8] =	ssyncset.s32 @!p0 $0xFFFFF086;
	s6 =	sadd.s32 @!p0 s3, s7;
	s7 =	simm.s32 @!p0 $0x108  }
0x21: {  	s3 =	sadd.s32 s3, s9;
	s6 =	sadd.s32 @!p0 $0x88, s6;
	s7 =	simm.s32 @p2 $0x1082  }
0x22: {  	[simem:s7], [sflag:s8] =	dma.local @!p0 [hbm:s6], $0xF7A  }
0x23: {  	s9 =	sor.u32 $0xD0000000, s2;
	s6 =	simm.s32 $0x108;
	_ =	swait.ge @!p0 [sflag:s8], $0x0  }
0x24: {  	s3 =	sadd.s32 $0x88, s3;
	s6 =	simm.s32 @!p1 $0x1082;
	[sflag:s4] =	ssyncset.s32 $0xFFFFF086  }
0x25: {  	[simem:s6], [sflag:s4] =	dma.local [hbm:s3], $0xF7A  }
0x26: {  	[smem:$0x3F91] =	sst s1;
	(tag) =	ssettag s2;
	_ =	strace s9  }
0x27: {  	s1 =	sld [smem:$0x3FA1]  }
0x28: {  	s2 =	sld [smem:$0x3FA2]  }
0x29: {  	s4 =	sld [smem:$0x3FA4]  }
0x2a: {  	p0 =	seq.s32 s5, $0x0;
	s5 =	sld [smem:$0x3FA5]  }
0x2b: {  	s6 =	sld [smem:$0x3FA6]  }
0x2c: {  	s7 =	sld [smem:$0x3FA7]  }
0x2d: {  	s3 =	simm.s32 $0x108;
	s8 =	sld [smem:$0x3FA8]  }
0x2e: {  	s3 =	simm.s32 @!p0 $0x1082;
	s9 =	sld [smem:$0x3FA9]  }
0x2f: {  	lr =	sadd.s32 s0, s3;
	s0 =	sld [smem:$0x3FA0]  }
0x30: {  	s3 =	sld [smem:$0x3FA3]  }
0x31: {  	[smem:$0x3FAC] =	sst s10  }
0x32: {  	s10 =	sld [smem:$0x3FAA];
	_ =	sdelay $0x3  }
0x33: {  	p0 =	seq.s32 s10, $0x1;
	s10 =	sld [smem:$0x3FAC];
	_ =	sdelay $0x3  }
0x34: {  	[smem:$0x3FAC] =	sst s10  }
0x35: {  	s10 =	sld [smem:$0x3FAB];
	_ =	sdelay $0x3  }
0x36: {  	p1 =	seq.s32 s10, $0x1;
	s10 =	sld [smem:$0x3FAC];
	_ =	sdelay $0x3  }
0x37: {  	[smem:$0x3FAC] =	sst s10  }
0x38: {  	s10 =	sld [smem:$0x3FAD]  }
0x39: {  	_ = 	snop;
	(pc) =	sbr.ind lr, $3  }
0x3a: {  	_ = 	snop  }
0x3b: {  	_ = 	snop  }
0x3c: {  	p2 =	seq.s32 s10, $0x1;
	s10 =	sld [smem:$0x3FAC]  }
0x3d: {  	_ =	shalt  }
0x3e: {  	_ =	shalt  }
0x3f: {  	_ =	shalt  }
0x40: {  	_ =	shalt  }
0x41: {  	_ =	shalt  }
0x42: {  	_ =	shalt  }
0x43: {  	_ =	shalt  }
0x44: {  	_ =	shalt  }
0x45: {  	_ =	shalt  }
0x46: {  	_ =	shalt  }
0x47: {  	_ =	shalt  }
0x48: {  	_ =	shalt  }
0x49: {  	_ =	shalt  }
0x4a: {  	_ =	shalt  }
0x4b: {  	_ =	shalt  }
0x4c: {  	_ =	shalt  }
0x4d: {  	_ =	shalt  }
0x4e: {  	_ =	shalt  }
0x4f: {  	_ =	shalt  }
0x50: {  	_ =	shalt  }
0x51: {  	_ =	shalt  }
0x52: {  	_ =	shalt  }
0x53: {  	_ =	shalt  }
0x54: {  	_ =	shalt  }
0x55: {  	_ =	shalt  }
0x56: {  	_ =	shalt  }
0x57: {  	_ =	shalt  }
0x58: {  	_ =	shalt  }
0x59: {  	_ =	shalt  }
0x5a: {  	_ =	shalt  }
0x5b: {  	_ =	shalt  }
0x5c: {  	_ =	shalt  }
0x5d: {  	_ =	shalt  }
0x5e: {  	_ =	shalt  }
0x5f: {  	_ =	shalt  }
0x60: {  	_ =	shalt  }
0x61: {  	_ =	shalt  }
0x62: {  	_ =	shalt  }
0x63: {  	_ =	shalt  }
0x64: {  	_ =	shalt  }
0x65: {  	_ =	shalt  }
0x66: {  	_ =	shalt  }
0x67: {  	_ =	shalt  }
0x68: {  	_ =	shalt  }
0x69: {  	_ =	shalt  }
0x6a: {  	_ =	shalt  }
0x6b: {  	_ =	shalt  }
0x6c: {  	_ =	shalt  }
0x6d: {  	_ =	shalt  }
0x6e: {  	_ =	shalt  }
0x6f: {  	_ =	shalt  }
0x70: {  	_ =	shalt  }
0x71: {  	_ =	shalt  }
0x72: {  	_ =	shalt  }
0x73: {  	_ =	shalt  }
0x74: {  	_ =	shalt  }
0x75: {  	_ =	shalt  }
0x76: {  	_ =	shalt  }
0x77: {  	_ =	shalt  }
0x78: {  	_ =	shalt  }
0x79: {  	_ =	shalt  }
0x7a: {  	_ =	shalt  }
0x7b: {  	_ =	shalt  }
0x7c: {  	_ =	shalt  }
0x7d: {  	_ =	shalt  }
0x7e: {  	_ =	shalt  }
0x7f: {  	_ =	shalt  }
0x80: {  	_ =	shalt  }
0x81: {  	_ =	shalt  }
0x82: {  	_ =	shalt  }
0x83: {  	_ =	shalt  }
0x84: {  	_ =	shalt  }
0x85: {  	_ =	shalt  }
0x86: {  	_ =	shalt  }
0x87: {  	_ =	shalt  }
.Lfunc_end0:
.L_simem_size_0:
called_computation.3_lowered:
.L_overlay_start_0:
0x88: {  	s2 =	sld [smem:$0x3FD9]  }
0x89: {  	s3 =	sld [smem:$0x3FFE];
	_ =	sdelay $0x1  }
0x8a: {  	s1 =	srdreg.scid  }
0x8b: {  	s0 =	sand.u32 $0x1, s1  }
0x8c: {  	s16 =	sshll.u32 s0, $0xA;
	s2 =	sadd.s32 s3, s2  }
0x8d: {  	s2 =	sadd.s32 s2, s16  }
0x8e: {  	[smem:$0x3FB8] =	sst s2  }
0x8f: {  	_ = 	snop  }
0x90: {  	(tm) =	ssettm $0x1  }
0x91: {  	s17 =	sld [smem:$0x3FFB];
	_ =	sdelay $0x3  }
0x92: {  	_ =	strace s17  }
0x93: {  	s2 =	sld [smem:$0x3FFC];
	_ =	sdelay $0x3  }
0x94: {  	_ =	strace s2  }
0x95: {  	s2 =	sld [smem:$0x3FFD];
	_ =	sdelay $0x3  }
0x96: {  	_ =	strace s2  }
0x97: {  	_ =	strace $0x8FFFFFFF  }
0x98: {  	s18 =	sld [smem:$0x3FDB];
	_ =	sdelay $0x1  }
0x99: {  	s19 =	simm.s32 $_scs_section_size  }
0x9a: {  	s4 =	simm.s32 $_size__tile_overlayer_lowered;
	s5 =	simm.s32 $_tile_overlayer_lowered  }
0x9b: {  	s22 =	simm.s32 $0x1BFF;
	s21 =	sshll.u32 s5, $0x1;
	s2 =	sadd.s32 s19, s18  }
0x9c: {  	s6 =	simm.s32 $0x0;
	s20 =	sshll.u32 s4, $0x1;
	s4 =	sadd.s32 s21, s2  }
0x9d: {  	[timem:s6], [sflag:s22] =	dma.local [hbm:s4], s20  }
0x9e: {  	_ =	swait.ge [sflag:s22], s20  }
0x9f: {  	s3 =	ssub.s32 $0x0, s20;
	[sflag:s22] =	ssyncset.done $0x0  }
0xa0: {  	[sflag:s22] =	ssyncadd.s32 s3;
	_ =	sdelay $0x1  }
0xa1: {  	s23 =	simm.s32 $0x1B8B  }
0xa2: {  	_ =	swait.ge [sflag:s23], $0x1  }
0xa3: {  	[sflag:s23] =	ssyncset.done $0x0  }
0xa4: {  	s25 =	simm.s32 $0x1B8E;
	s24 =	sld [smem:$0x3FFE];
	[sflag:s23] =	ssyncadd.s32 $0xFFFFFFFF  }
0xa5: {  	s26 =	simm.s32 $execute0_lowered;
	[smem:$0x3FD2] =	sst s25  }
0xa6: {  	s4 =	sshll.u32 s26, $0x1;
	_ =	strace $0x8000004F;
	[dreg:$0x1] =	wrdreg $0xFFFFFFFF  }
0xa7: {  	s28 =	simm.s32 $_size_execute0_lowered;
	s2 =	sadd.s32 s2, s4;
	[dreg:$0x0] =	wrdreg $0x0  }
0xa8: {  	s4 =	sshll.u32 s28, $0x1;
	[dreg:$0x2] =	wrdreg s2  }
0xa9: {  	[dreg:$0x3] =	wrdreg s4  }
0xaa: {  	[dreg:$0x4] =	wrdreg $0xC0  }
0xab: {  	_ =	task [dreg:s6], $0x5FFFF  }
0xac: {  	[dreg:$0x1] =	wrdreg $0xFFFFFFFF  }
0xad: {  	[dreg:$0x0] =	wrdreg $0x60  }
0xae: {  	[dreg:$0x2] =	wrdreg s24  }
0xaf: {  	[dreg:$0x3] =	wrdreg $0x41000  }
0xb0: {  	[dreg:$0x4] =	wrdreg $0x9  }
0xb1: {  	_ =	task.clear_ibuf [dreg:s6], $0x5FFFF;
	_ =	strace $0x9000004F  }
0xb2: {  	s29 =	simm.s32 $0x9;
	_ =	strace $0x80000051  }
0xb3: {  	_ =	swait.ge [sflag:s29], $0x1  }
0xb4: {  	[sflag:s29] =	ssyncadd.s32 $0xFFFFFFFF  }
0xb5: {  	_ =	strace $0x90000051  }
0xb6: {  	_ =	sfence  }
0xb7: {  	s30 =	sld [smem:$0x0];
	_ =	sdelay $0x2  }
0xb8: {  	s31 =	sshll.u32 s1, $0xD;
	s1 =	sshrl.u32 s1, $0x2  }
0xb9: {  	s3 =	sand.u32 $0x4000, s31;
	s1 =	sadd.s32 s1, s30  }
0xba: {  	s0 =	sor.u32 s3, s0;
	s1 =	sshll.u32 s1, $0x11  }
0xbb: {  	s0 =	sor.u32 s1, s0  }
0xbc: {  	s0 =	sadd.s32 $0x8F2B, s0  }
0xbd: {  	[sflag:s0] =	ssyncadd.remote.s32 $0x1  }
0xbe: {  	_ =	sfence.sel $0xFFFF  }
0xbf: {  	[dreg:$0x0] =	wrdreg $0xFFFFFFFF;
	(pc) =	sbr.abs _section_cstart, $3  }
0xc0: {  	[dreg:$0x1] =	wrdreg $0xFFFFFFFF  }
0xc1: {  	_ =	task.clear_ibuf [dreg:s6], $0x2FFFF;
	_ =	strace $0x9FFFFFFF  }
0xc2: {  	(tm) =	ssettm $0x7FFFFFFF  }
0xc3: {  	_ =	shalt  }
tec
execute0_lowered:
.L_overlay_start_1:
0x0: {  	(tag) =	ssettag $0x1  }
0x1: {  	s6 =	rddreg [dreg:$0x0];
	s0 =	srdreg.scid  }
0x2: {  	s2 =	rddreg [dreg:$0x1];
	s1 =	stileid.u32;
	s3 =	simm.s32 $0x0  }
0x3: {  	s14 =	simm.s32 $0x100;
	s15 =	simm.s32 $0x1;
	s8 =	smul.u32 $0x13C00, s1  }
0x4: {  	s7 =	sand.u32 $0x1, s0;
	s0 =	rddreg [dreg:$0x2];
	s9 =	smul.u32 $0xA00, s1  }
0x5: {  	s16 =	simm.s32 $0x0;
	[smem:$0x7FF] =	sst s3;
	s10 =	smul.u32 $0x4F000, s1  }
0x6: {  	s4 =	sadd.s32 $0x69C00, s6;
	s30 =	sshll.u32 s1, $0x6;
	s5 =	smul.u32 $0x13C000, s7  }
0x7: {  	_ =	strace $0x80000050;
	s29 =	ssub.s32 $0x2, s7;
	s12 =	smul.u32 $0x500, s7  }
0x8: {  	s26 =	sadd.s32 s9, s6;
	s11 =	sshrl.u32 s29, $0x1;
	s10 =	sshrl.u32 s10, $0x2  }
0x9: {  	s5 =	sadd.s32 s8, s5;
	s11 =	ssub.s32 s29, s11;
	s13 =	sadd.s32 s10, s2  }
0xa: {  	s31 =	sadd.s32 s12, s26;
	s12 =	simm.s32 $0x2;
	s28 =	sshrl.u32 s5, $0x3  }
0xb: {  	s5 =	sadd.s32 $0x19200, s6;
	s8 =	smax.u32 s11, $0x1;
	s10 =	sadd.s32 $0xF000, s31  }
0xc: {  	s11 =	sshrl.u32 s13, $0x3;
	s13 =	simm.s32 $0x80;
	s9 =	sadd.s32 s28, s6  }
0xd: {  	s6 =	sor.u32 $0x1C02, s30;
	s7 =	sadd.s32 $0x90E00, s9;
	s9 =	sadd.s32 $0x4E00, s31  }
.LBB2_1:
0xe: {  	[spmem:s11], [sflag:s6] =	dma.local [hbm:s5], $0x2780  }
0xf: {  	_ =	swait.ge [sflag:s12], $0x2780  }
0x10: {  	[sflag:s12] =	ssyncset.done $0x0  }
0x11: {  	[sflag:s12] =	ssyncadd.s32 $0xFFFFD880  }
0x12: {  	s17 =	sadd.s32 $0x0, s10;
	[bflag:$0x0] =	sbarrier.arrive $0xFFFF  }
0x13: {  	[tilespmem:s3], [sflag:$0x2] =	stream.linear.gather [hbm4b:s17+s3], $0x80, $0x38;
	[tilespmem:$0x17D00] =	vst v63  }
0x14: {  	_ =	swait.ge [sflag:s12], $0x80  }
0x15: {  	[sflag:s12] =	ssyncset.done $0x0  }
0x16: {  	s31 =	sadd.s32 $0x0, s9;
	[sflag:s12] =	ssyncadd.s32 $0xFFFFFF80  }
0x17: {  	[tilespmem:s13], [sflag:$0x2] =	stream.linear.gather [hbm4b:s31+s3], $0x80, $0x38;
	[tilespmem:$0x17D00] =	vst v63  }
0x18: {  	_ =	swait.ge [sflag:s12], $0x80  }
0x19: {  	[sflag:s12] =	ssyncset.done $0x0  }
0x1a: {  	[sflag:s12] =	ssyncadd.s32 $0xFFFFFF80  }
0x1b: {  	[tilespmem:s14], [sflag:$0x1] =	stream.indirect.gather [hbm4b:s4+s13], $0x80, s3, s13, $0xb8;
	[tilespmem:$0x17D00] =	vst v63  }
0x1c: {  	_ =	swait.ge [sflag:s15], $0x4000  }
0x1d: {  	[sflag:s15] =	ssyncset.done $0x0  }
0x1e: {  	[sflag:s15] =	ssyncadd.s32 $0xFFFFC000  }
0x1f: {  	[spmem:s2] =	stream.indirect.scatter.add.f32 [tilespmem:s14], [sflag:$0x2], $0x80, s13, s13, $0xb8;
	[tilespmem:$0x17D00] =	vst v63  }
0x20: {  	_ =	swait.ge [sflag:s12], $0x4000  }
0x21: {  	s18 =	simm.s32 $0x20;
	s17 =	simm.s32 $0x10;
	[sflag:s12] =	ssyncset.done $0x0  }
.LBB2_2:
0x22: {  	s19 =	sadd.s32 s17, s10  }
0x23: {  	[sflag:s12] =	ssyncadd.s32 $0xFFFFC000;
	s20 =	smov.u32 s18;
	s21 =	sadd.s32 $0x10, s18  }
0x24: {  	[tilespmem:s3], [sflag:$0x2] =	stream.linear.gather [hbm4b:s19+s3], $0x80, $0x38;
	[tilespmem:$0x17D00] =	vst v63  }
0x25: {  	p0 =	sne.s32 s18, $0x4F0;
	_ =	swait.ge [sflag:s12], $0x80  }
0x26: {  	[sflag:s12] =	ssyncset.done $0x0  }
0x27: {  	s18 =	sadd.s32 s17, s9;
	s17 =	smov.u32 s20;
	[sflag:s12] =	ssyncadd.s32 $0xFFFFFF80  }
0x28: {  	[tilespmem:s13], [sflag:$0x2] =	stream.linear.gather [hbm4b:s18+s3], $0x80, $0x38;
	[tilespmem:$0x17D00] =	vst v63  }
0x29: {  	_ =	swait.ge [sflag:s12], $0x80  }
0x2a: {  	[sflag:s12] =	ssyncset.done $0x0  }
0x2b: {  	[sflag:s12] =	ssyncadd.s32 $0xFFFFFF80  }
0x2c: {  	[tilespmem:s14], [sflag:$0x1] =	stream.indirect.gather [hbm4b:s4+s13], $0x80, s3, s13, $0xb8;
	[tilespmem:$0x17D00] =	vst v63  }
0x2d: {  	_ =	swait.ge [sflag:s15], $0x4000  }
.Ltmp0:
0x2e: {  	[sflag:s15] =	ssyncset.done $0x0;
	(pc) =	sbr.rel @p0 .LBB2_2-.Ltmp0, $4  }
0x2f: {  	[sflag:s15] =	ssyncadd.s32 $0xFFFFC000  }
0x30: {  	[spmem:s2] =	stream.indirect.scatter.add.f32 [tilespmem:s14], [sflag:$0x2], $0x80, s13, s13, $0xb8;
	[tilespmem:$0x17D00] =	vst v63  }
0x31: {  	_ =	swait.ge [sflag:s12], $0x4000  }
0x32: {  	s18 =	smov.u32 s21;
	[sflag:s12] =	ssyncset.done $0x0  }
0x33: {  	s18 =	sadd.s32 s17, s10;
	[sflag:s12] =	ssyncadd.s32 $0xFFFFC000  }
0x34: {  	[tilespmem:s3], [sflag:$0x2] =	stream.linear.gather [hbm4b:s18+s3], $0x80, $0x38;
	[tilespmem:$0x17D00] =	vst v63  }
0x35: {  	_ =	swait.ge [sflag:s12], $0x80  }
0x36: {  	[sflag:s12] =	ssyncset.done $0x0  }
0x37: {  	s31 =	sadd.s32 s17, s9;
	[sflag:s12] =	ssyncadd.s32 $0xFFFFFF80  }
0x38: {  	[tilespmem:s13], [sflag:$0x2] =	stream.linear.gather [hbm4b:s31+s3], $0x80, $0x38;
	[tilespmem:$0x17D00] =	vst v63  }
0x39: {  	_ =	swait.ge [sflag:s12], $0x80  }
0x3a: {  	[sflag:s12] =	ssyncset.done $0x0  }
0x3b: {  	[sflag:s12] =	ssyncadd.s32 $0xFFFFFF80  }
0x3c: {  	[tilespmem:s14], [sflag:$0x1] =	stream.indirect.gather [hbm4b:s4+s13], $0x80, s3, s13, $0xb8;
	[tilespmem:$0x17D00] =	vst v63  }
0x3d: {  	_ =	swait.ge [sflag:s15], $0x4000  }
0x3e: {  	[sflag:s15] =	ssyncset.done $0x0  }
0x3f: {  	[sflag:s15] =	ssyncadd.s32 $0xFFFFC000  }
0x40: {  	[spmem:s2] =	stream.indirect.scatter.add.f32 [tilespmem:s14], [sflag:$0x2], $0x80, s13, s13, $0xb8;
	[tilespmem:$0x17D00] =	vst v63  }
0x41: {  	_ =	swait.ge [sflag:s12], $0x4000  }
0x42: {  	s16 =	sadd.s32 $0x1, s16;
	[sflag:s12] =	ssyncset.done $0x0  }
0x43: {  	p0 =	sne.s32 s16, s8;
	[sflag:s12] =	ssyncadd.s32 $0xFFFFC000  }
.Ltmp1:
0x44: {  	[bflag:$0x0] =	sbarrier.arrive $0xFFFF;
	(pc) =	sbr.rel @p0 .LBB2_1-.Ltmp1, $4  }
0x45: {  	[hbm:s7], [sflag:s6] =	dma.local [spmem:s11], $0x2780  }
0x46: {  	_ =	swait.ge [sflag:s12], $0x2780  }
0x47: {  	[sflag:s12] =	ssyncset.done $0x0  }
0x48: {  	[sflag:s12] =	ssyncadd.s32 $0xFFFFD880  }
0x49: {  	_ =	sfence.sel $0x180000  }
0x4a: {  	[bflag:$0x0] =	sbarrier.arrive $0xFFFF  }
0x4b: {  	p0 =	sne.s32 s1, $0x0;
	_ =	strace $0x90000050  }
0x4c: {  	s0 =	sadd.s32 @!p0 $0x100000, s0;
	[bflag:$0x2] =	sbarrier.arrive $0xFFFF  }
0x4d: {  	[sflag:s0] =	ssyncadd.tile.s32 @!p0 $0x1;
	_ =	shalt  }
.Lfunc_end2:
_tile_overlayer_lowered:
.L_overlay_start_2:
0x4e: {  	(tag) =	ssettag $0x2  }
0x4f: {  	s0 =	rddreg [dreg:$0x0];
	s2 =	stileid.u32  }
0x50: {  	s1 =	rddreg [dreg:$0x1];
	p0 =	sne.s32 s2, $0x0  }
0x51: {  	s3 =	rddreg [dreg:$0x2];
	[bflag:$0x3] =	sbarrier.arrive $0xFFFF;
	s2 =	simm.s32 @!p0 $0x1C02  }
0x52: {  	[timem:s3], [sflag:s2] =	dma.local @!p0 [hbm:s0], s1  }
0x53: {  	s0 =	simm.s32 @!p0 $0x2  }
0x54: {  	_ =	swait.ge @!p0 [sflag:s0], s1  }
0x55: {  	s1 =	ssub.s32 @!p0 $0x0, s1;
	[sflag:s0] =	ssyncset.done @!p0 $0x0  }
0x56: {  	[sflag:s0] =	ssyncadd.s32 @!p0 s1  }
0x57: {  	[bflag:$0x3] =	sbarrier.arrive $0xFFFF  }
0x58: {  	_ =	shalt  }

// kernel: kernel.23.cloned.1.call-start
scs
__scs_entry_jumppad:
0x0: {  	(pc) =	sbr.rel $0x88, $3  }
0x1: {  	(tag) =	ssettag $0x0;
	lr =	simm.s32 $0x1  }
0x2: {  	[smem:$0x3F91] =	sst lr;
	_ =	strace $0xD0000000  }
0x3: {  	_ = 	snop  }
0x4: {  	_ = 	snop  }
0x5: {  	_ = 	snop  }
0x6: {  	_ = 	snop  }
0x7: {  	_ = 	snop  }
__scs_overlays_trampoline_lowered:
0x8: {  	[smem:$0x3FA0] =	sst s0  }
0x9: {  	[smem:$0x3FA1] =	sst s1  }
0xa: {  	[smem:$0x3FA2] =	sst s2  }
0xb: {  	[smem:$0x3FA3] =	sst s3  }
0xc: {  	[smem:$0x3FA4] =	sst s4  }
0xd: {  	[smem:$0x3FA5] =	sst s5  }
0xe: {  	[smem:$0x3FA6] =	sst s6  }
0xf: {  	[smem:$0x3FA7] =	sst s7  }
0x10: {  	[smem:$0x3FA8] =	sst s8  }
0x11: {  	[smem:$0x3FA9] =	sst s9;
	s0 =	simm.s32 @!p0 $0x0  }
0x12: {  	s1 =	sld [smem:$0x3F8F];
	s0 =	simm.s32 @p0 $0x1  }
0x13: {  	[smem:$0x3FAA] =	sst s0;
	s0 =	simm.s32 @!p1 $0x0  }
0x14: {  	s2 =	sld [smem:$0x3F8E];
	s0 =	simm.s32 @p1 $0x1  }
0x15: {  	[smem:$0x3FAB] =	sst s0;
	s0 =	simm.s32 @!p2 $0x0  }
0x16: {  	s3 =	sld [smem:$0x3FDB];
	s0 =	simm.s32 @p2 $0x1  }
0x17: {  	s4 =	simm.s32 $0x1BF5;
	[smem:$0x3FAD] =	sst s0  }
0x18: {  	s0 =	sld [smem:$0x3F90];
	_ =	swait.ge [sflag:s4], $0x0  }
0x19: {  	s7 =	sld [smem:$0x3F91]  }
0x1a: {  	s8 =	sadd.s32 $0xFFFFE003, lr  }
0x1b: {  	s9 =	sadd.s32 $0xFFFFFEF7, lr;
	s5 =	simm.s32 $0xFFFFFFFF;
	p2 =	slt.u32 s8, $0xFFFFF086  }
0x1c: {  	p1 =	slt.u32 s9, $0xF7A;
	s5 =	simm.s32 @!p2 $0x0  }
0x1d: {  	s5 =	simm.s32 @p1 $0x1;
	p0 =	seq.s32 s7, s2  }
0x1e: {  	s7 =	smul.u32 @!p0 $0xF7A, s2;
	p2 =	seq.s32 @!p0 s5, $0x0  }
0x1f: {  	s9 =	smul.u32 $0xF7A, s1;
	s8 =	simm.s32 @!p0 $0x1BF5;
	p2 =	por !p2, p0  }
0x20: {  	[sflag:s8] =	ssyncset.s32 @!p0 $0xFFFFF086;
	s6 =	sadd.s32 @!p0 s3, s7;
	s7 =	simm.s32 @!p0 $0x108  }
0x21: {  	s3 =	sadd.s32 s3, s9;
	s6 =	sadd.s32 @!p0 $0x88, s6;
	s7 =	simm.s32 @p2 $0x1082  }
0x22: {  	[simem:s7], [sflag:s8] =	dma.local @!p0 [hbm:s6], $0xF7A  }
0x23: {  	s9 =	sor.u32 $0xD0000000, s2;
	s6 =	simm.s32 $0x108;
	_ =	swait.ge @!p0 [sflag:s8], $0x0  }
0x24: {  	s3 =	sadd.s32 $0x88, s3;
	s6 =	simm.s32 @!p1 $0x1082;
	[sflag:s4] =	ssyncset.s32 $0xFFFFF086  }
0x25: {  	[simem:s6], [sflag:s4] =	dma.local [hbm:s3], $0xF7A  }
0x26: {  	[smem:$0x3F91] =	sst s1;
	(tag) =	ssettag s2;
	_ =	strace s9  }
0x27: {  	s1 =	sld [smem:$0x3FA1]  }
0x28: {  	s2 =	sld [smem:$0x3FA2]  }
0x29: {  	s4 =	sld [smem:$0x3FA4]  }
0x2a: {  	p0 =	seq.s32 s5, $0x0;
	s5 =	sld [smem:$0x3FA5]  }
0x2b: {  	s6 =	sld [smem:$0x3FA6]  }
0x2c: {  	s7 =	sld [smem:$0x3FA7]  }
0x2d: {  	s3 =	simm.s32 $0x108;
	s8 =	sld [smem:$0x3FA8]  }
0x2e: {  	s3 =	simm.s32 @!p0 $0x1082;
	s9 =	sld [smem:$0x3FA9]  }
0x2f: {  	lr =	sadd.s32 s0, s3;
	s0 =	sld [smem:$0x3FA0]  }
0x30: {  	s3 =	sld [smem:$0x3FA3]  }
0x31: {  	[smem:$0x3FAC] =	sst s10  }
0x32: {  	s10 =	sld [smem:$0x3FAA];
	_ =	sdelay $0x3  }
0x33: {  	p0 =	seq.s32 s10, $0x1;
	s10 =	sld [smem:$0x3FAC];
	_ =	sdelay $0x3  }
0x34: {  	[smem:$0x3FAC] =	sst s10  }
0x35: {  	s10 =	sld [smem:$0x3FAB];
	_ =	sdelay $0x3  }
0x36: {  	p1 =	seq.s32 s10, $0x1;
	s10 =	sld [smem:$0x3FAC];
	_ =	sdelay $0x3  }
0x37: {  	[smem:$0x3FAC] =	sst s10  }
0x38: {  	s10 =	sld [smem:$0x3FAD]  }
0x39: {  	_ = 	snop;
	(pc) =	sbr.ind lr, $3  }
0x3a: {  	_ = 	snop  }
0x3b: {  	_ = 	snop  }
0x3c: {  	p2 =	seq.s32 s10, $0x1;
	s10 =	sld [smem:$0x3FAC]  }
0x3d: {  	_ =	shalt  }
0x3e: {  	_ =	shalt  }
0x3f: {  	_ =	shalt  }
0x40: {  	_ =	shalt  }
0x41: {  	_ =	shalt  }
0x42: {  	_ =	shalt  }
0x43: {  	_ =	shalt  }
0x44: {  	_ =	shalt  }
0x45: {  	_ =	shalt  }
0x46: {  	_ =	shalt  }
0x47: {  	_ =	shalt  }
0x48: {  	_ =	shalt  }
0x49: {  	_ =	shalt  }
0x4a: {  	_ =	shalt  }
0x4b: {  	_ =	shalt  }
0x4c: {  	_ =	shalt  }
0x4d: {  	_ =	shalt  }
0x4e: {  	_ =	shalt  }
0x4f: {  	_ =	shalt  }
0x50: {  	_ =	shalt  }
0x51: {  	_ =	shalt  }
0x52: {  	_ =	shalt  }
0x53: {  	_ =	shalt  }
0x54: {  	_ =	shalt  }
0x55: {  	_ =	shalt  }
0x56: {  	_ =	shalt  }
0x57: {  	_ =	shalt  }
0x58: {  	_ =	shalt  }
0x59: {  	_ =	shalt  }
0x5a: {  	_ =	shalt  }
0x5b: {  	_ =	shalt  }
0x5c: {  	_ =	shalt  }
0x5d: {  	_ =	shalt  }
0x5e: {  	_ =	shalt  }
0x5f: {  	_ =	shalt  }
0x60: {  	_ =	shalt  }
0x61: {  	_ =	shalt  }
0x62: {  	_ =	shalt  }
0x63: {  	_ =	shalt  }
0x64: {  	_ =	shalt  }
0x65: {  	_ =	shalt  }
0x66: {  	_ =	shalt  }
0x67: {  	_ =	shalt  }
0x68: {  	_ =	shalt  }
0x69: {  	_ =	shalt  }
0x6a: {  	_ =	shalt  }
0x6b: {  	_ =	shalt  }
0x6c: {  	_ =	shalt  }
0x6d: {  	_ =	shalt  }
0x6e: {  	_ =	shalt  }
0x6f: {  	_ =	shalt  }
0x70: {  	_ =	shalt  }
0x71: {  	_ =	shalt  }
0x72: {  	_ =	shalt  }
0x73: {  	_ =	shalt  }
0x74: {  	_ =	shalt  }
0x75: {  	_ =	shalt  }
0x76: {  	_ =	shalt  }
0x77: {  	_ =	shalt  }
0x78: {  	_ =	shalt  }
0x79: {  	_ =	shalt  }
0x7a: {  	_ =	shalt  }
0x7b: {  	_ =	shalt  }
0x7c: {  	_ =	shalt  }
0x7d: {  	_ =	shalt  }
0x7e: {  	_ =	shalt  }
0x7f: {  	_ =	shalt  }
0x80: {  	_ =	shalt  }
0x81: {  	_ =	shalt  }
0x82: {  	_ =	shalt  }
0x83: {  	_ =	shalt  }
0x84: {  	_ =	shalt  }
0x85: {  	_ =	shalt  }
0x86: {  	_ =	shalt  }
0x87: {  	_ =	shalt  }
.Lfunc_end0:
.L_simem_size_0:
called_computation.4_lowered:
.L_overlay_start_0:
0x88: {  	s2 =	sld [smem:$0x3FD9]  }
0x89: {  	s3 =	sld [smem:$0x3FFE];
	_ =	sdelay $0x1  }
0x8a: {  	s1 =	srdreg.scid  }
0x8b: {  	s0 =	sand.u32 $0x1, s1  }
0x8c: {  	s16 =	sshll.u32 s0, $0xA;
	s2 =	sadd.s32 s3, s2  }
0x8d: {  	s2 =	sadd.s32 s2, s16  }
0x8e: {  	[smem:$0x3FB8] =	sst s2  }
0x8f: {  	_ = 	snop  }
0x90: {  	(tm) =	ssettm $0x1  }
0x91: {  	s17 =	sld [smem:$0x3FFB];
	_ =	sdelay $0x3  }
0x92: {  	_ =	strace s17  }
0x93: {  	s2 =	sld [smem:$0x3FFC];
	_ =	sdelay $0x3  }
0x94: {  	_ =	strace s2  }
0x95: {  	s2 =	sld [smem:$0x3FFD];
	_ =	sdelay $0x3  }
0x96: {  	_ =	strace s2  }
0x97: {  	_ =	strace $0x8FFFFFFF  }
0x98: {  	s18 =	sld [smem:$0x3FDB];
	_ =	sdelay $0x1  }
0x99: {  	s19 =	simm.s32 $_scs_section_size  }
0x9a: {  	s4 =	simm.s32 $_size__tile_overlayer_lowered;
	s5 =	simm.s32 $_tile_overlayer_lowered  }
0x9b: {  	s22 =	simm.s32 $0x1BFF;
	s21 =	sshll.u32 s5, $0x1;
	s2 =	sadd.s32 s19, s18  }
0x9c: {  	s6 =	simm.s32 $0x0;
	s20 =	sshll.u32 s4, $0x1;
	s4 =	sadd.s32 s21, s2  }
0x9d: {  	[timem:s6], [sflag:s22] =	dma.local [hbm:s4], s20  }
0x9e: {  	_ =	swait.ge [sflag:s22], s20  }
0x9f: {  	s3 =	ssub.s32 $0x0, s20;
	[sflag:s22] =	ssyncset.done $0x0  }
0xa0: {  	[sflag:s22] =	ssyncadd.s32 s3;
	_ =	sdelay $0x1  }
0xa1: {  	s23 =	simm.s32 $0x1B8B  }
0xa2: {  	_ =	swait.ge [sflag:s23], $0x1  }
0xa3: {  	[sflag:s23] =	ssyncset.done $0x0  }
0xa4: {  	s25 =	simm.s32 $0x1B8E;
	s24 =	sld [smem:$0x3FFE];
	[sflag:s23] =	ssyncadd.s32 $0xFFFFFFFF  }
0xa5: {  	s26 =	simm.s32 $execute0_lowered;
	[smem:$0x3FD2] =	sst s25  }
0xa6: {  	s4 =	sshll.u32 s26, $0x1;
	_ =	strace $0x80000052;
	[dreg:$0x1] =	wrdreg $0xFFFFFFFF  }
0xa7: {  	s28 =	simm.s32 $_size_execute0_lowered;
	s2 =	sadd.s32 s2, s4;
	[dreg:$0x0] =	wrdreg $0x0  }
0xa8: {  	s4 =	sshll.u32 s28, $0x1;
	[dreg:$0x2] =	wrdreg s2  }
0xa9: {  	[dreg:$0x3] =	wrdreg s4  }
0xaa: {  	[dreg:$0x4] =	wrdreg $0xC0  }
0xab: {  	_ =	task [dreg:s6], $0x5FFFF  }
0xac: {  	[dreg:$0x1] =	wrdreg $0xFFFFFFFF  }
0xad: {  	[dreg:$0x0] =	wrdreg $0x60  }
0xae: {  	[dreg:$0x2] =	wrdreg s24  }
0xaf: {  	[dreg:$0x3] =	wrdreg $0x41000  }
0xb0: {  	[dreg:$0x4] =	wrdreg $0x9  }
0xb1: {  	_ =	task.clear_ibuf [dreg:s6], $0x5FFFF;
	_ =	strace $0x90000052  }
0xb2: {  	s29 =	simm.s32 $0x9;
	_ =	strace $0x80000054  }
0xb3: {  	_ =	swait.ge [sflag:s29], $0x1  }
0xb4: {  	[sflag:s29] =	ssyncadd.s32 $0xFFFFFFFF  }
0xb5: {  	_ =	strace $0x90000054  }
0xb6: {  	_ =	sfence  }
0xb7: {  	s30 =	sld [smem:$0x0];
	_ =	sdelay $0x2  }
0xb8: {  	s31 =	sshll.u32 s1, $0xD;
	s1 =	sshrl.u32 s1, $0x2  }
0xb9: {  	s3 =	sand.u32 $0x4000, s31;
	s1 =	sadd.s32 s1, s30  }
0xba: {  	s0 =	sor.u32 s3, s0;
	s1 =	sshll.u32 s1, $0x11  }
0xbb: {  	s0 =	sor.u32 s1, s0  }
0xbc: {  	s0 =	sadd.s32 $0x8F2B, s0  }
0xbd: {  	[sflag:s0] =	ssyncadd.remote.s32 $0x1  }
0xbe: {  	_ =	sfence.sel $0xFFFF  }
0xbf: {  	[dreg:$0x0] =	wrdreg $0xFFFFFFFF;
	(pc) =	sbr.abs _section_cstart, $3  }
0xc0: {  	[dreg:$0x1] =	wrdreg $0xFFFFFFFF  }
0xc1: {  	_ =	task.clear_ibuf [dreg:s6], $0x2FFFF;
	_ =	strace $0x9FFFFFFF  }
0xc2: {  	(tm) =	ssettm $0x7FFFFFFF  }
0xc3: {  	_ =	shalt  }
tec
execute0_lowered:
.L_overlay_start_1:
0x0: {  	(tag) =	ssettag $0x1  }
0x1: {  	s6 =	rddreg [dreg:$0x0];
	s0 =	srdreg.scid  }
0x2: {  	s2 =	rddreg [dreg:$0x1];
	s1 =	stileid.u32;
	s3 =	simm.s32 $0x0  }
0x3: {  	s14 =	simm.s32 $0x100;
	s15 =	simm.s32 $0x1;
	s8 =	smul.u32 $0x13C00, s1  }
0x4: {  	s7 =	sand.u32 $0x1, s0;
	s0 =	rddreg [dreg:$0x2];
	s9 =	smul.u32 $0xA00, s1  }
0x5: {  	s16 =	simm.s32 $0x0;
	[smem:$0x7FF] =	sst s3;
	s10 =	smul.u32 $0x4F000, s1  }
0x6: {  	s4 =	sadd.s32 $0x69C00, s6;
	s30 =	sshll.u32 s1, $0x6;
	s5 =	smul.u32 $0x13C000, s7  }
0x7: {  	_ =	strace $0x80000053;
	s29 =	ssub.s32 $0x2, s7;
	s12 =	smul.u32 $0x500, s7  }
0x8: {  	s26 =	sadd.s32 s9, s6;
	s11 =	sshrl.u32 s29, $0x1;
	s10 =	sshrl.u32 s10, $0x2  }
0x9: {  	s5 =	sadd.s32 s8, s5;
	s11 =	ssub.s32 s29, s11;
	s13 =	sadd.s32 s10, s2  }
0xa: {  	s31 =	sadd.s32 s12, s26;
	s12 =	simm.s32 $0x2;
	s28 =	sshrl.u32 s5, $0x3  }
0xb: {  	s5 =	sadd.s32 $0x19200, s6;
	s8 =	smax.u32 s11, $0x1;
	s10 =	sadd.s32 $0xF000, s31  }
0xc: {  	s11 =	sshrl.u32 s13, $0x3;
	s13 =	simm.s32 $0x80;
	s9 =	sadd.s32 s28, s6  }
0xd: {  	s6 =	sor.u32 $0x1C02, s30;
	s7 =	sadd.s32 $0x90E00, s9;
	s9 =	sadd.s32 $0x4E00, s31  }
.LBB2_1:
0xe: {  	[spmem:s11], [sflag:s6] =	dma.local [hbm:s5], $0x2780  }
0xf: {  	_ =	swait.ge [sflag:s12], $0x2780  }
0x10: {  	[sflag:s12] =	ssyncset.done $0x0  }
0x11: {  	[sflag:s12] =	ssyncadd.s32 $0xFFFFD880  }
0x12: {  	s17 =	sadd.s32 $0x0, s10;
	[bflag:$0x0] =	sbarrier.arrive $0xFFFF  }
0x13: {  	[tilespmem:s3], [sflag:$0x2] =	stream.linear.gather [hbm4b:s17+s3], $0x80, $0x38;
	[tilespmem:$0x17D00] =	vst v63  }
0x14: {  	_ =	swait.ge [sflag:s12], $0x80  }
0x15: {  	[sflag:s12] =	ssyncset.done $0x0  }
0x16: {  	s31 =	sadd.s32 $0x0, s9;
	[sflag:s12] =	ssyncadd.s32 $0xFFFFFF80  }
0x17: {  	[tilespmem:s13], [sflag:$0x2] =	stream.linear.gather [hbm4b:s31+s3], $0x80, $0x38;
	[tilespmem:$0x17D00] =	vst v63  }
0x18: {  	_ =	swait.ge [sflag:s12], $0x80  }
0x19: {  	[sflag:s12] =	ssyncset.done $0x0  }
0x1a: {  	[sflag:s12] =	ssyncadd.s32 $0xFFFFFF80  }
0x1b: {  	[tilespmem:s14], [sflag:$0x1] =	stream.indirect.gather [hbm4b:s4+s13], $0x80, s3, s13, $0xb8;
	[tilespmem:$0x17D00] =	vst v63  }
0x1c: {  	_ =	swait.ge [sflag:s15], $0x4000  }
0x1d: {  	[sflag:s15] =	ssyncset.done $0x0  }
0x1e: {  	[sflag:s15] =	ssyncadd.s32 $0xFFFFC000  }
0x1f: {  	[spmem:s2] =	stream.indirect.scatter.add.f32 [tilespmem:s14], [sflag:$0x2], $0x80, s13, s13, $0xb8;
	[tilespmem:$0x17D00] =	vst v63  }
0x20: {  	_ =	swait.ge [sflag:s12], $0x4000  }
0x21: {  	s18 =	simm.s32 $0x20;
	s17 =	simm.s32 $0x10;
	[sflag:s12] =	ssyncset.done $0x0  }
.LBB2_2:
0x22: {  	s19 =	sadd.s32 s17, s10  }
0x23: {  	[sflag:s12] =	ssyncadd.s32 $0xFFFFC000;
	s20 =	smov.u32 s18;
	s21 =	sadd.s32 $0x10, s18  }
0x24: {  	[tilespmem:s3], [sflag:$0x2] =	stream.linear.gather [hbm4b:s19+s3], $0x80, $0x38;
	[tilespmem:$0x17D00] =	vst v63  }
0x25: {  	p0 =	sne.s32 s18, $0x4F0;
	_ =	swait.ge [sflag:s12], $0x80  }
0x26: {  	[sflag:s12] =	ssyncset.done $0x0  }
0x27: {  	s18 =	sadd.s32 s17, s9;
	s17 =	smov.u32 s20;
	[sflag:s12] =	ssyncadd.s32 $0xFFFFFF80  }
0x28: {  	[tilespmem:s13], [sflag:$0x2] =	stream.linear.gather [hbm4b:s18+s3], $0x80, $0x38;
	[tilespmem:$0x17D00] =	vst v63  }
0x29: {  	_ =	swait.ge [sflag:s12], $0x80  }
0x2a: {  	[sflag:s12] =	ssyncset.done $0x0  }
0x2b: {  	[sflag:s12] =	ssyncadd.s32 $0xFFFFFF80  }
0x2c: {  	[tilespmem:s14], [sflag:$0x1] =	stream.indirect.gather [hbm4b:s4+s13], $0x80, s3, s13, $0xb8;
	[tilespmem:$0x17D00] =	vst v63  }
0x2d: {  	_ =	swait.ge [sflag:s15], $0x4000  }
.Ltmp0:
0x2e: {  	[sflag:s15] =	ssyncset.done $0x0;
	(pc) =	sbr.rel @p0 .LBB2_2-.Ltmp0, $4  }
0x2f: {  	[sflag:s15] =	ssyncadd.s32 $0xFFFFC000  }
0x30: {  	[spmem:s2] =	stream.indirect.scatter.add.f32 [tilespmem:s14], [sflag:$0x2], $0x80, s13, s13, $0xb8;
	[tilespmem:$0x17D00] =	vst v63  }
0x31: {  	_ =	swait.ge [sflag:s12], $0x4000  }
0x32: {  	s18 =	smov.u32 s21;
	[sflag:s12] =	ssyncset.done $0x0  }
0x33: {  	s18 =	sadd.s32 s17, s10;
	[sflag:s12] =	ssyncadd.s32 $0xFFFFC000  }
0x34: {  	[tilespmem:s3], [sflag:$0x2] =	stream.linear.gather [hbm4b:s18+s3], $0x80, $0x38;
	[tilespmem:$0x17D00] =	vst v63  }
0x35: {  	_ =	swait.ge [sflag:s12], $0x80  }
0x36: {  	[sflag:s12] =	ssyncset.done $0x0  }
0x37: {  	s31 =	sadd.s32 s17, s9;
	[sflag:s12] =	ssyncadd.s32 $0xFFFFFF80  }
0x38: {  	[tilespmem:s13], [sflag:$0x2] =	stream.linear.gather [hbm4b:s31+s3], $0x80, $0x38;
	[tilespmem:$0x17D00] =	vst v63  }
0x39: {  	_ =	swait.ge [sflag:s12], $0x80  }
0x3a: {  	[sflag:s12] =	ssyncset.done $0x0  }
0x3b: {  	[sflag:s12] =	ssyncadd.s32 $0xFFFFFF80  }
0x3c: {  	[tilespmem:s14], [sflag:$0x1] =	stream.indirect.gather [hbm4b:s4+s13], $0x80, s3, s13, $0xb8;
	[tilespmem:$0x17D00] =	vst v63  }
0x3d: {  	_ =	swait.ge [sflag:s15], $0x4000  }
0x3e: {  	[sflag:s15] =	ssyncset.done $0x0  }
0x3f: {  	[sflag:s15] =	ssyncadd.s32 $0xFFFFC000  }
0x40: {  	[spmem:s2] =	stream.indirect.scatter.add.f32 [tilespmem:s14], [sflag:$0x2], $0x80, s13, s13, $0xb8;
	[tilespmem:$0x17D00] =	vst v63  }
0x41: {  	_ =	swait.ge [sflag:s12], $0x4000  }
0x42: {  	s16 =	sadd.s32 $0x1, s16;
	[sflag:s12] =	ssyncset.done $0x0  }
0x43: {  	p0 =	sne.s32 s16, s8;
	[sflag:s12] =	ssyncadd.s32 $0xFFFFC000  }
.Ltmp1:
0x44: {  	[bflag:$0x0] =	sbarrier.arrive $0xFFFF;
	(pc) =	sbr.rel @p0 .LBB2_1-.Ltmp1, $4  }
0x45: {  	[hbm:s7], [sflag:s6] =	dma.local [spmem:s11], $0x2780  }
0x46: {  	_ =	swait.ge [sflag:s12], $0x2780  }
0x47: {  	[sflag:s12] =	ssyncset.done $0x0  }
0x48: {  	[sflag:s12] =	ssyncadd.s32 $0xFFFFD880  }
0x49: {  	_ =	sfence.sel $0x180000  }
0x4a: {  	[bflag:$0x0] =	sbarrier.arrive $0xFFFF  }
0x4b: {  	p0 =	sne.s32 s1, $0x0;
	_ =	strace $0x90000053  }
0x4c: {  	s0 =	sadd.s32 @!p0 $0x100000, s0;
	[bflag:$0x2] =	sbarrier.arrive $0xFFFF  }
0x4d: {  	[sflag:s0] =	ssyncadd.tile.s32 @!p0 $0x1;
	_ =	shalt  }
.Lfunc_end2:
_tile_overlayer_lowered:
.L_overlay_start_2:
0x4e: {  	(tag) =	ssettag $0x2  }
0x4f: {  	s0 =	rddreg [dreg:$0x0];
	s2 =	stileid.u32  }
0x50: {  	s1 =	rddreg [dreg:$0x1];
	p0 =	sne.s32 s2, $0x0  }
0x51: {  	s3 =	rddreg [dreg:$0x2];
	[bflag:$0x3] =	sbarrier.arrive $0xFFFF;
	s2 =	simm.s32 @!p0 $0x1C02  }
0x52: {  	[timem:s3], [sflag:s2] =	dma.local @!p0 [hbm:s0], s1  }
0x53: {  	s0 =	simm.s32 @!p0 $0x2  }
0x54: {  	_ =	swait.ge @!p0 [sflag:s0], s1  }
0x55: {  	s1 =	ssub.s32 @!p0 $0x0, s1;
	[sflag:s0] =	ssyncset.done @!p0 $0x0  }
0x56: {  	[sflag:s0] =	ssyncadd.s32 @!p0 s1  }
0x57: {  	[bflag:$0x3] =	sbarrier.arrive $0xFFFF  }
0x58: {  	_ =	shalt  }

</sc_bundles>
